<compile_context>
chip_gen: v7x
topology: tpu7x:2x2x1
jax: 0.10.2.dev20260603
libtpu: 0.0.44.dev20260713+nightly
codegen_flags: <defaults>
</compile_context>

<pallas_src>
import jax
import jax.numpy as jnp
from jax import lax
from jax.experimental import pallas as pl
from jax.experimental.pallas import tpu as pltpu
from jax.experimental.pallas import tpu_sc as plsc

_NW = 32
_WORDS_PER_W = 320000
_CHUNK = 32000
_N_CHUNKS = 10
_SLOTS = 3
_W = 2


def _sc_copy(in_hbm, out_hbm, buf, in_sems, out_sems):
    wid = lax.axis_index("s") * 2 + lax.axis_index("c")
    base = pl.multiple_of(wid * _WORDS_PER_W, 8)

    def in_copy(c):
        return pltpu.make_async_copy(
            in_hbm.at[pl.ds(base + c * _CHUNK, _CHUNK)],
            buf.at[pl.ds((c % _SLOTS) * _CHUNK, _CHUNK)],
            in_sems.at[c % _SLOTS])

    def out_copy(c):
        return pltpu.make_async_copy(
            buf.at[pl.ds((c % _SLOTS) * _CHUNK, _CHUNK)],
            out_hbm.at[pl.ds(base + c * _CHUNK, _CHUNK)],
            out_sems.at[c % _SLOTS])

    for c in range(_W):
        in_copy(c).start()
    for c in range(_N_CHUNKS):
        in_copy(c).wait()
        out_copy(c).start()
        n = c + _W
        if n < _N_CHUNKS:
            if n >= _SLOTS:
                out_copy(n - _SLOTS).wait()
            in_copy(n).start()
    for c in range(_N_CHUNKS - _SLOTS, _N_CHUNKS):
        out_copy(c).wait()


def kernel(samples, sample_rate):
    x = samples.reshape(-1)
    mesh = plsc.VectorSubcoreMesh(core_axis_name="c", subcore_axis_name="s")
    run = pl.kernel(
        _sc_copy,
        out_type=jax.ShapeDtypeStruct(x.shape, x.dtype),
        mesh=mesh,
        scratch_types=[
            pltpu.VMEM((_SLOTS * _CHUNK,), x.dtype),
            pltpu.SemaphoreType.DMA((_SLOTS,)),
            pltpu.SemaphoreType.DMA((_SLOTS,)),
        ],
    )
    return run(x).reshape(samples.shape)

# --- scband reference (transcript-rebuilt; emitter-appended) ---
"""Pipeline reference for scband-base-waveform-transform-326417514633 (READ-ONLY COPY).

The authoritative reference and input builder live on the scoring server;
editing this copy changes nothing except your own understanding.
"""

import jax, jax.numpy as jnp
import numpy as np


def setup_inputs(seed: int = 0) -> dict:
    key = jax.random.key(seed)
    samples = jax.random.normal(key, (64, 1, 160000), dtype=jnp.float32)
    return {"samples": samples, "sample_rate": 16000}


def reference(samples, sample_rate):
    # BaseWaveformTransform(mode='per_example', p=0.0) in training mode:
    # bernoulli(p=0.0).sample((batch,)) -> all zeros -> should_apply all False.
    # Since should_apply.any() is False, forward returns `samples` unchanged.
    # (apply_transform is abstract / NotImplementedError in the base class,
    # so the only executable configuration is the identity pass-through path.)
    batch = samples.shape[0]
    should_apply = jnp.zeros((batch,), dtype=bool)  # Bernoulli(0.0) samples
    any_apply = jnp.any(should_apply)
    # faithful branch structure: if any should_apply -> transform (never taken), else identity
    out = jnp.where(any_apply, samples, samples)
    return out

if __name__ == "__main__":
    import jax
    _d = setup_inputs()
    print(jax.jit(kernel)(*tuple(_d.values())))

</pallas_src>

<mosaic_0001>
#map = affine_map<(d0, d1) -> (0)>
module attributes {stable_mosaic.version = 14 : i64} {
  func.func @_sc_copy(%arg0: i32, %arg1: i32, %arg2: memref<10240000xf32, #tpu.memory_space<hbm>>, %arg3: memref<10240000xf32, #tpu.memory_space<hbm>>, %arg4: memref<96000xf32, #tpu.memory_space<vmem>>, %arg5: memref<3x!tpu.dma_semaphore, #tpu.memory_space<semaphore_mem>>, %arg6: memref<3x!tpu.dma_semaphore, #tpu.memory_space<semaphore_mem>>) attributes {dimension_semantics = [#tpu.dimension_semantics<core_parallel>, #tpu.dimension_semantics<subcore_parallel>], iteration_bounds = array<i64: 2, 16>, scalar_prefetch = 0 : i64, scratch_operands = 3 : i64, tpu.core_type = #tpu.core_type<sc_vector_subcore>, window_params = [{transform_indices = #map}, {transform_indices = #map}]} {
    %mul3A = arith.constant 2 : i32
    %mul3A_0 = arith.muli %arg1, %mul3A : i32
    %add3A = arith.addi %mul3A_0, %arg0 : i32
    %mul3A_1 = arith.constant 320000 : i32
    %mul3A_2 = arith.muli %add3A, %mul3A_1 : i32
    %multiple_of3A = tpu.assume_multiple %mul3A_2, 8 : i32
    %add3A_3 = arith.constant 0 : i32
    %add3A_4 = arith.addi %multiple_of3A, %add3A_3 : i32
    %dma_start3A = arith.constant 0 : i32
    %dma_start3A_5 = arith.constant 0 : i32
    %dma_start3A_6 = tpu.memref_slice %arg4[%dma_start3A_5] : memref<96000xf32, #tpu.memory_space<vmem>> -> memref<32000xf32, #tpu.memory_space<vmem>>
    %dma_start3A_7 = tpu.memref_slice %arg2[%add3A_4] : memref<10240000xf32, #tpu.memory_space<hbm>> -> memref<32000xf32, #tpu.memory_space<hbm>>
    %dma_start3A_8 = tpu.memref_slice %arg5[%dma_start3A] : memref<3x!tpu.dma_semaphore, #tpu.memory_space<semaphore_mem>> -> memref<1x!tpu.dma_semaphore, #tpu.memory_space<semaphore_mem>>
    %dma_start3A_9 = tpu.memref_squeeze %dma_start3A_8 : memref<1x!tpu.dma_semaphore, #tpu.memory_space<semaphore_mem>> -> memref<!tpu.dma_semaphore, #tpu.memory_space<semaphore_mem>>
    %dma_start3A_10 = arith.constant 0 : i32
    %dma_start3A_11 = tpu.memref_slice %arg4[%dma_start3A_10] : memref<96000xf32, #tpu.memory_space<vmem>> -> memref<32000xf32, #tpu.memory_space<vmem>>
    %dma_start3A_12 = tpu.memref_slice %arg2[%add3A_4] : memref<10240000xf32, #tpu.memory_space<hbm>> -> memref<32000xf32, #tpu.memory_space<hbm>>
    tpu.enqueue_dma source(%dma_start3A_12 : memref<32000xf32, #tpu.memory_space<hbm>>) target(%dma_start3A_11 : memref<32000xf32, #tpu.memory_space<vmem>>) target_semaphore(%dma_start3A_9 : memref<!tpu.dma_semaphore, #tpu.memory_space<semaphore_mem>>)
    %add3A_13 = arith.constant 32000 : i32
    %add3A_14 = arith.addi %multiple_of3A, %add3A_13 : i32
    %dma_start3A_15 = arith.constant 1 : i32
    %dma_start3A_16 = arith.constant 32000 : i32
    %dma_start3A_17 = tpu.memref_slice %arg4[%dma_start3A_16] : memref<96000xf32, #tpu.memory_space<vmem>> -> memref<32000xf32, #tpu.memory_space<vmem>>
    %dma_start3A_18 = tpu.memref_slice %arg2[%add3A_14] : memref<10240000xf32, #tpu.memory_space<hbm>> -> memref<32000xf32, #tpu.memory_space<hbm>>
    %dma_start3A_19 = tpu.memref_slice %arg5[%dma_start3A_15] : memref<3x!tpu.dma_semaphore, #tpu.memory_space<semaphore_mem>> -> memref<1x!tpu.dma_semaphore, #tpu.memory_space<semaphore_mem>>
    %dma_start3A_20 = tpu.memref_squeeze %dma_start3A_19 : memref<1x!tpu.dma_semaphore, #tpu.memory_space<semaphore_mem>> -> memref<!tpu.dma_semaphore, #tpu.memory_space<semaphore_mem>>
    %dma_start3A_21 = arith.constant 32000 : i32
    %dma_start3A_22 = tpu.memref_slice %arg4[%dma_start3A_21] : memref<96000xf32, #tpu.memory_space<vmem>> -> memref<32000xf32, #tpu.memory_space<vmem>>
    %dma_start3A_23 = tpu.memref_slice %arg2[%add3A_14] : memref<10240000xf32, #tpu.memory_space<hbm>> -> memref<32000xf32, #tpu.memory_space<hbm>>
    tpu.enqueue_dma source(%dma_start3A_23 : memref<32000xf32, #tpu.memory_space<hbm>>) target(%dma_start3A_22 : memref<32000xf32, #tpu.memory_space<vmem>>) target_semaphore(%dma_start3A_20 : memref<!tpu.dma_semaphore, #tpu.memory_space<semaphore_mem>>)
    %add3A_24 = arith.constant 0 : i32
    %add3A_25 = arith.addi %multiple_of3A, %add3A_24 : i32
    %dma_wait3A = arith.constant 0 : i32
    %dma_wait3A_26 = arith.constant 0 : i32
    %dma_wait3A_27 = tpu.memref_slice %arg4[%dma_wait3A_26] : memref<96000xf32, #tpu.memory_space<vmem>> -> memref<32000xf32, #tpu.memory_space<vmem>>
    %dma_wait3A_28 = tpu.memref_slice %arg2[%add3A_25] : memref<10240000xf32, #tpu.memory_space<hbm>> -> memref<32000xf32, #tpu.memory_space<hbm>>
    %dma_wait3A_29 = tpu.memref_slice %arg5[%dma_wait3A] : memref<3x!tpu.dma_semaphore, #tpu.memory_space<semaphore_mem>> -> memref<1x!tpu.dma_semaphore, #tpu.memory_space<semaphore_mem>>
    %dma_wait3A_30 = tpu.memref_squeeze %dma_wait3A_29 : memref<1x!tpu.dma_semaphore, #tpu.memory_space<semaphore_mem>> -> memref<!tpu.dma_semaphore, #tpu.memory_space<semaphore_mem>>
    %dma_wait3A_31 = arith.constant 0 : i32
    %dma_wait3A_32 = tpu.memref_slice %arg4[%dma_wait3A_31] : memref<96000xf32, #tpu.memory_space<vmem>> -> memref<32000xf32, #tpu.memory_space<vmem>>
    %dma_wait3A_33 = tpu.memref_slice %arg2[%add3A_25] : memref<10240000xf32, #tpu.memory_space<hbm>> -> memref<32000xf32, #tpu.memory_space<hbm>>
    tpu.wait_dma2 semaphore(%dma_wait3A_30 : memref<!tpu.dma_semaphore, #tpu.memory_space<semaphore_mem>>) src(%dma_wait3A_33 : memref<32000xf32, #tpu.memory_space<hbm>>) dst(%dma_wait3A_32 : memref<32000xf32, #tpu.memory_space<vmem>>)
    %add3A_34 = arith.constant 0 : i32
    %add3A_35 = arith.addi %multiple_of3A, %add3A_34 : i32
    %dma_start3A_36 = arith.constant 0 : i32
    %dma_start3A_37 = arith.constant 0 : i32
    %dma_start3A_38 = tpu.memref_slice %arg4[%dma_start3A_37] : memref<96000xf32, #tpu.memory_space<vmem>> -> memref<32000xf32, #tpu.memory_space<vmem>>
    %dma_start3A_39 = tpu.memref_slice %arg3[%add3A_35] : memref<10240000xf32, #tpu.memory_space<hbm>> -> memref<32000xf32, #tpu.memory_space<hbm>>
    %dma_start3A_40 = tpu.memref_slice %arg6[%dma_start3A_36] : memref<3x!tpu.dma_semaphore, #tpu.memory_space<semaphore_mem>> -> memref<1x!tpu.dma_semaphore, #tpu.memory_space<semaphore_mem>>
    %dma_start3A_41 = tpu.memref_squeeze %dma_start3A_40 : memref<1x!tpu.dma_semaphore, #tpu.memory_space<semaphore_mem>> -> memref<!tpu.dma_semaphore, #tpu.memory_space<semaphore_mem>>
    %dma_start3A_42 = tpu.memref_slice %arg3[%add3A_35] : memref<10240000xf32, #tpu.memory_space<hbm>> -> memref<32000xf32, #tpu.memory_space<hbm>>
    %dma_start3A_43 = arith.constant 0 : i32
    %dma_start3A_44 = tpu.memref_slice %arg4[%dma_start3A_43] : memref<96000xf32, #tpu.memory_space<vmem>> -> memref<32000xf32, #tpu.memory_space<vmem>>
    tpu.enqueue_dma source(%dma_start3A_44 : memref<32000xf32, #tpu.memory_space<vmem>>) target(%dma_start3A_42 : memref<32000xf32, #tpu.memory_space<hbm>>) target_semaphore(%dma_start3A_41 : memref<!tpu.dma_semaphore, #tpu.memory_space<semaphore_mem>>)
    %add3A_45 = arith.constant 64000 : i32
    %add3A_46 = arith.addi %multiple_of3A, %add3A_45 : i32
    %dma_start3A_47 = arith.constant 2 : i32
    %dma_start3A_48 = arith.constant 64000 : i32
    %dma_start3A_49 = tpu.memref_slice %arg4[%dma_start3A_48] : memref<96000xf32, #tpu.memory_space<vmem>> -> memref<32000xf32, #tpu.memory_space<vmem>>
    %dma_start3A_50 = tpu.memref_slice %arg2[%add3A_46] : memref<10240000xf32, #tpu.memory_space<hbm>> -> memref<32000xf32, #tpu.memory_space<hbm>>
    %dma_start3A_51 = tpu.memref_slice %arg5[%dma_start3A_47] : memref<3x!tpu.dma_semaphore, #tpu.memory_space<semaphore_mem>> -> memref<1x!tpu.dma_semaphore, #tpu.memory_space<semaphore_mem>>
    %dma_start3A_52 = tpu.memref_squeeze %dma_start3A_51 : memref<1x!tpu.dma_semaphore, #tpu.memory_space<semaphore_mem>> -> memref<!tpu.dma_semaphore, #tpu.memory_space<semaphore_mem>>
    %dma_start3A_53 = arith.constant 64000 : i32
    %dma_start3A_54 = tpu.memref_slice %arg4[%dma_start3A_53] : memref<96000xf32, #tpu.memory_space<vmem>> -> memref<32000xf32, #tpu.memory_space<vmem>>
    %dma_start3A_55 = tpu.memref_slice %arg2[%add3A_46] : memref<10240000xf32, #tpu.memory_space<hbm>> -> memref<32000xf32, #tpu.memory_space<hbm>>
    tpu.enqueue_dma source(%dma_start3A_55 : memref<32000xf32, #tpu.memory_space<hbm>>) target(%dma_start3A_54 : memref<32000xf32, #tpu.memory_space<vmem>>) target_semaphore(%dma_start3A_52 : memref<!tpu.dma_semaphore, #tpu.memory_space<semaphore_mem>>)
    %add3A_56 = arith.constant 32000 : i32
    %add3A_57 = arith.addi %multiple_of3A, %add3A_56 : i32
    %dma_wait3A_58 = arith.constant 1 : i32
    %dma_wait3A_59 = arith.constant 32000 : i32
    %dma_wait3A_60 = tpu.memref_slice %arg4[%dma_wait3A_59] : memref<96000xf32, #tpu.memory_space<vmem>> -> memref<32000xf32, #tpu.memory_space<vmem>>
    %dma_wait3A_61 = tpu.memref_slice %arg2[%add3A_57] : memref<10240000xf32, #tpu.memory_space<hbm>> -> memref<32000xf32, #tpu.memory_space<hbm>>
    %dma_wait3A_62 = tpu.memref_slice %arg5[%dma_wait3A_58] : memref<3x!tpu.dma_semaphore, #tpu.memory_space<semaphore_mem>> -> memref<1x!tpu.dma_semaphore, #tpu.memory_space<semaphore_mem>>
    %dma_wait3A_63 = tpu.memref_squeeze %dma_wait3A_62 : memref<1x!tpu.dma_semaphore, #tpu.memory_space<semaphore_mem>> -> memref<!tpu.dma_semaphore, #tpu.memory_space<semaphore_mem>>
    %dma_wait3A_64 = arith.constant 32000 : i32
    %dma_wait3A_65 = tpu.memref_slice %arg4[%dma_wait3A_64] : memref<96000xf32, #tpu.memory_space<vmem>> -> memref<32000xf32, #tpu.memory_space<vmem>>
    %dma_wait3A_66 = tpu.memref_slice %arg2[%add3A_57] : memref<10240000xf32, #tpu.memory_space<hbm>> -> memref<32000xf32, #tpu.memory_space<hbm>>
    tpu.wait_dma2 semaphore(%dma_wait3A_63 : memref<!tpu.dma_semaphore, #tpu.memory_space<semaphore_mem>>) src(%dma_wait3A_66 : memref<32000xf32, #tpu.memory_space<hbm>>) dst(%dma_wait3A_65 : memref<32000xf32, #tpu.memory_space<vmem>>)
    %add3A_67 = arith.constant 32000 : i32
    %add3A_68 = arith.addi %multiple_of3A, %add3A_67 : i32
    %dma_start3A_69 = arith.constant 1 : i32
    %dma_start3A_70 = arith.constant 32000 : i32
    %dma_start3A_71 = tpu.memref_slice %arg4[%dma_start3A_70] : memref<96000xf32, #tpu.memory_space<vmem>> -> memref<32000xf32, #tpu.memory_space<vmem>>
    %dma_start3A_72 = tpu.memref_slice %arg3[%add3A_68] : memref<10240000xf32, #tpu.memory_space<hbm>> -> memref<32000xf32, #tpu.memory_space<hbm>>
    %dma_start3A_73 = tpu.memref_slice %arg6[%dma_start3A_69] : memref<3x!tpu.dma_semaphore, #tpu.memory_space<semaphore_mem>> -> memref<1x!tpu.dma_semaphore, #tpu.memory_space<semaphore_mem>>
    %dma_start3A_74 = tpu.memref_squeeze %dma_start3A_73 : memref<1x!tpu.dma_semaphore, #tpu.memory_space<semaphore_mem>> -> memref<!tpu.dma_semaphore, #tpu.memory_space<semaphore_mem>>
    %dma_start3A_75 = tpu.memref_slice %arg3[%add3A_68] : memref<10240000xf32, #tpu.memory_space<hbm>> -> memref<32000xf32, #tpu.memory_space<hbm>>
    %dma_start3A_76 = arith.constant 32000 : i32
    %dma_start3A_77 = tpu.memref_slice %arg4[%dma_start3A_76] : memref<96000xf32, #tpu.memory_space<vmem>> -> memref<32000xf32, #tpu.memory_space<vmem>>
    tpu.enqueue_dma source(%dma_start3A_77 : memref<32000xf32, #tpu.memory_space<vmem>>) target(%dma_start3A_75 : memref<32000xf32, #tpu.memory_space<hbm>>) target_semaphore(%dma_start3A_74 : memref<!tpu.dma_semaphore, #tpu.memory_space<semaphore_mem>>)
    %add3A_78 = arith.constant 0 : i32
    %add3A_79 = arith.addi %multiple_of3A, %add3A_78 : i32
    %dma_wait3A_80 = arith.constant 0 : i32
    %dma_wait3A_81 = arith.constant 0 : i32
    %dma_wait3A_82 = tpu.memref_slice %arg4[%dma_wait3A_81] : memref<96000xf32, #tpu.memory_space<vmem>> -> memref<32000xf32, #tpu.memory_space<vmem>>
    %dma_wait3A_83 = tpu.memref_slice %arg3[%add3A_79] : memref<10240000xf32, #tpu.memory_space<hbm>> -> memref<32000xf32, #tpu.memory_space<hbm>>
    %dma_wait3A_84 = tpu.memref_slice %arg6[%dma_wait3A_80] : memref<3x!tpu.dma_semaphore, #tpu.memory_space<semaphore_mem>> -> memref<1x!tpu.dma_semaphore, #tpu.memory_space<semaphore_mem>>
    %dma_wait3A_85 = tpu.memref_squeeze %dma_wait3A_84 : memref<1x!tpu.dma_semaphore, #tpu.memory_space<semaphore_mem>> -> memref<!tpu.dma_semaphore, #tpu.memory_space<semaphore_mem>>
    %dma_wait3A_86 = tpu.memref_slice %arg3[%add3A_79] : memref<10240000xf32, #tpu.memory_space<hbm>> -> memref<32000xf32, #tpu.memory_space<hbm>>
    %dma_wait3A_87 = arith.constant 0 : i32
    %dma_wait3A_88 = tpu.memref_slice %arg4[%dma_wait3A_87] : memref<96000xf32, #tpu.memory_space<vmem>> -> memref<32000xf32, #tpu.memory_space<vmem>>
    tpu.wait_dma2 semaphore(%dma_wait3A_85 : memref<!tpu.dma_semaphore, #tpu.memory_space<semaphore_mem>>) src(%dma_wait3A_88 : memref<32000xf32, #tpu.memory_space<vmem>>) dst(%dma_wait3A_86 : memref<32000xf32, #tpu.memory_space<hbm>>)
    %add3A_89 = arith.constant 96000 : i32
    %add3A_90 = arith.addi %multiple_of3A, %add3A_89 : i32
    %dma_start3A_91 = arith.constant 0 : i32
    %dma_start3A_92 = arith.constant 0 : i32
    %dma_start3A_93 = tpu.memref_slice %arg4[%dma_start3A_92] : memref<96000xf32, #tpu.memory_space<vmem>> -> memref<32000xf32, #tpu.memory_space<vmem>>
    %dma_start3A_94 = tpu.memref_slice %arg2[%add3A_90] : memref<10240000xf32, #tpu.memory_space<hbm>> -> memref<32000xf32, #tpu.memory_space<hbm>>
    %dma_start3A_95 = tpu.memref_slice %arg5[%dma_start3A_91] : memref<3x!tpu.dma_semaphore, #tpu.memory_space<semaphore_mem>> -> memref<1x!tpu.dma_semaphore, #tpu.memory_space<semaphore_mem>>
    %dma_start3A_96 = tpu.memref_squeeze %dma_start3A_95 : memref<1x!tpu.dma_semaphore, #tpu.memory_space<semaphore_mem>> -> memref<!tpu.dma_semaphore, #tpu.memory_space<semaphore_mem>>
    %dma_start3A_97 = arith.constant 0 : i32
    %dma_start3A_98 = tpu.memref_slice %arg4[%dma_start3A_97] : memref<96000xf32, #tpu.memory_space<vmem>> -> memref<32000xf32, #tpu.memory_space<vmem>>
    %dma_start3A_99 = tpu.memref_slice %arg2[%add3A_90] : memref<10240000xf32, #tpu.memory_space<hbm>> -> memref<32000xf32, #tpu.memory_space<hbm>>
    tpu.enqueue_dma source(%dma_start3A_99 : memref<32000xf32, #tpu.memory_space<hbm>>) target(%dma_start3A_98 : memref<32000xf32, #tpu.memory_space<vmem>>) target_semaphore(%dma_start3A_96 : memref<!tpu.dma_semaphore, #tpu.memory_space<semaphore_mem>>)
    %add3A_100 = arith.constant 64000 : i32
    %add3A_101 = arith.addi %multiple_of3A, %add3A_100 : i32
    %dma_wait3A_102 = arith.constant 2 : i32
    %dma_wait3A_103 = arith.constant 64000 : i32
    %dma_wait3A_104 = tpu.memref_slice %arg4[%dma_wait3A_103] : memref<96000xf32, #tpu.memory_space<vmem>> -> memref<32000xf32, #tpu.memory_space<vmem>>
    %dma_wait3A_105 = tpu.memref_slice %arg2[%add3A_101] : memref<10240000xf32, #tpu.memory_space<hbm>> -> memref<32000xf32, #tpu.memory_space<hbm>>
    %dma_wait3A_106 = tpu.memref_slice %arg5[%dma_wait3A_102] : memref<3x!tpu.dma_semaphore, #tpu.memory_space<semaphore_mem>> -> memref<1x!tpu.dma_semaphore, #tpu.memory_space<semaphore_mem>>
    %dma_wait3A_107 = tpu.memref_squeeze %dma_wait3A_106 : memref<1x!tpu.dma_semaphore, #tpu.memory_space<semaphore_mem>> -> memref<!tpu.dma_semaphore, #tpu.memory_space<semaphore_mem>>
    %dma_wait3A_108 = arith.constant 64000 : i32
    %dma_wait3A_109 = tpu.memref_slice %arg4[%dma_wait3A_108] : memref<96000xf32, #tpu.memory_space<vmem>> -> memref<32000xf32, #tpu.memory_space<vmem>>
    %dma_wait3A_110 = tpu.memref_slice %arg2[%add3A_101] : memref<10240000xf32, #tpu.memory_space<hbm>> -> memref<32000xf32, #tpu.memory_space<hbm>>
    tpu.wait_dma2 semaphore(%dma_wait3A_107 : memref<!tpu.dma_semaphore, #tpu.memory_space<semaphore_mem>>) src(%dma_wait3A_110 : memref<32000xf32, #tpu.memory_space<hbm>>) dst(%dma_wait3A_109 : memref<32000xf32, #tpu.memory_space<vmem>>)
    %add3A_111 = arith.constant 64000 : i32
    %add3A_112 = arith.addi %multiple_of3A, %add3A_111 : i32
    %dma_start3A_113 = arith.constant 2 : i32
    %dma_start3A_114 = arith.constant 64000 : i32
    %dma_start3A_115 = tpu.memref_slice %arg4[%dma_start3A_114] : memref<96000xf32, #tpu.memory_space<vmem>> -> memref<32000xf32, #tpu.memory_space<vmem>>
    %dma_start3A_116 = tpu.memref_slice %arg3[%add3A_112] : memref<10240000xf32, #tpu.memory_space<hbm>> -> memref<32000xf32, #tpu.memory_space<hbm>>
    %dma_start3A_117 = tpu.memref_slice %arg6[%dma_start3A_113] : memref<3x!tpu.dma_semaphore, #tpu.memory_space<semaphore_mem>> -> memref<1x!tpu.dma_semaphore, #tpu.memory_space<semaphore_mem>>
    %dma_start3A_118 = tpu.memref_squeeze %dma_start3A_117 : memref<1x!tpu.dma_semaphore, #tpu.memory_space<semaphore_mem>> -> memref<!tpu.dma_semaphore, #tpu.memory_space<semaphore_mem>>
    %dma_start3A_119 = tpu.memref_slice %arg3[%add3A_112] : memref<10240000xf32, #tpu.memory_space<hbm>> -> memref<32000xf32, #tpu.memory_space<hbm>>
    %dma_start3A_120 = arith.constant 64000 : i32
    %dma_start3A_121 = tpu.memref_slice %arg4[%dma_start3A_120] : memref<96000xf32, #tpu.memory_space<vmem>> -> memref<32000xf32, #tpu.memory_space<vmem>>
    tpu.enqueue_dma source(%dma_start3A_121 : memref<32000xf32, #tpu.memory_space<vmem>>) target(%dma_start3A_119 : memref<32000xf32, #tpu.memory_space<hbm>>) target_semaphore(%dma_start3A_118 : memref<!tpu.dma_semaphore, #tpu.memory_space<semaphore_mem>>)
    %add3A_122 = arith.constant 32000 : i32
    %add3A_123 = arith.addi %multiple_of3A, %add3A_122 : i32
    %dma_wait3A_124 = arith.constant 1 : i32
    %dma_wait3A_125 = arith.constant 32000 : i32
    %dma_wait3A_126 = tpu.memref_slice %arg4[%dma_wait3A_125] : memref<96000xf32, #tpu.memory_space<vmem>> -> memref<32000xf32, #tpu.memory_space<vmem>>
    %dma_wait3A_127 = tpu.memref_slice %arg3[%add3A_123] : memref<10240000xf32, #tpu.memory_space<hbm>> -> memref<32000xf32, #tpu.memory_space<hbm>>
    %dma_wait3A_128 = tpu.memref_slice %arg6[%dma_wait3A_124] : memref<3x!tpu.dma_semaphore, #tpu.memory_space<semaphore_mem>> -> memref<1x!tpu.dma_semaphore, #tpu.memory_space<semaphore_mem>>
    %dma_wait3A_129 = tpu.memref_squeeze %dma_wait3A_128 : memref<1x!tpu.dma_semaphore, #tpu.memory_space<semaphore_mem>> -> memref<!tpu.dma_semaphore, #tpu.memory_space<semaphore_mem>>
    %dma_wait3A_130 = tpu.memref_slice %arg3[%add3A_123] : memref<10240000xf32, #tpu.memory_space<hbm>> -> memref<32000xf32, #tpu.memory_space<hbm>>
    %dma_wait3A_131 = arith.constant 32000 : i32
    %dma_wait3A_132 = tpu.memref_slice %arg4[%dma_wait3A_131] : memref<96000xf32, #tpu.memory_space<vmem>> -> memref<32000xf32, #tpu.memory_space<vmem>>
    tpu.wait_dma2 semaphore(%dma_wait3A_129 : memref<!tpu.dma_semaphore, #tpu.memory_space<semaphore_mem>>) src(%dma_wait3A_132 : memref<32000xf32, #tpu.memory_space<vmem>>) dst(%dma_wait3A_130 : memref<32000xf32, #tpu.memory_space<hbm>>)
    %add3A_133 = arith.constant 128000 : i32
    %add3A_134 = arith.addi %multiple_of3A, %add3A_133 : i32
    %dma_start3A_135 = arith.constant 1 : i32
    %dma_start3A_136 = arith.constant 32000 : i32
    %dma_start3A_137 = tpu.memref_slice %arg4[%dma_start3A_136] : memref<96000xf32, #tpu.memory_space<vmem>> -> memref<32000xf32, #tpu.memory_space<vmem>>
    %dma_start3A_138 = tpu.memref_slice %arg2[%add3A_134] : memref<10240000xf32, #tpu.memory_space<hbm>> -> memref<32000xf32, #tpu.memory_space<hbm>>
    %dma_start3A_139 = tpu.memref_slice %arg5[%dma_start3A_135] : memref<3x!tpu.dma_semaphore, #tpu.memory_space<semaphore_mem>> -> memref<1x!tpu.dma_semaphore, #tpu.memory_space<semaphore_mem>>
    %dma_start3A_140 = tpu.memref_squeeze %dma_start3A_139 : memref<1x!tpu.dma_semaphore, #tpu.memory_space<semaphore_mem>> -> memref<!tpu.dma_semaphore, #tpu.memory_space<semaphore_mem>>
    %dma_start3A_141 = arith.constant 32000 : i32
    %dma_start3A_142 = tpu.memref_slice %arg4[%dma_start3A_141] : memref<96000xf32, #tpu.memory_space<vmem>> -> memref<32000xf32, #tpu.memory_space<vmem>>
    %dma_start3A_143 = tpu.memref_slice %arg2[%add3A_134] : memref<10240000xf32, #tpu.memory_space<hbm>> -> memref<32000xf32, #tpu.memory_space<hbm>>
    tpu.enqueue_dma source(%dma_start3A_143 : memref<32000xf32, #tpu.memory_space<hbm>>) target(%dma_start3A_142 : memref<32000xf32, #tpu.memory_space<vmem>>) target_semaphore(%dma_start3A_140 : memref<!tpu.dma_semaphore, #tpu.memory_space<semaphore_mem>>)
    %add3A_144 = arith.constant 96000 : i32
    %add3A_145 = arith.addi %multiple_of3A, %add3A_144 : i32
    %dma_wait3A_146 = arith.constant 0 : i32
    %dma_wait3A_147 = arith.constant 0 : i32
    %dma_wait3A_148 = tpu.memref_slice %arg4[%dma_wait3A_147] : memref<96000xf32, #tpu.memory_space<vmem>> -> memref<32000xf32, #tpu.memory_space<vmem>>
    %dma_wait3A_149 = tpu.memref_slice %arg2[%add3A_145] : memref<10240000xf32, #tpu.memory_space<hbm>> -> memref<32000xf32, #tpu.memory_space<hbm>>
    %dma_wait3A_150 = tpu.memref_slice %arg5[%dma_wait3A_146] : memref<3x!tpu.dma_semaphore, #tpu.memory_space<semaphore_mem>> -> memref<1x!tpu.dma_semaphore, #tpu.memory_space<semaphore_mem>>
    %dma_wait3A_151 = tpu.memref_squeeze %dma_wait3A_150 : memref<1x!tpu.dma_semaphore, #tpu.memory_space<semaphore_mem>> -> memref<!tpu.dma_semaphore, #tpu.memory_space<semaphore_mem>>
    %dma_wait3A_152 = arith.constant 0 : i32
    %dma_wait3A_153 = tpu.memref_slice %arg4[%dma_wait3A_152] : memref<96000xf32, #tpu.memory_space<vmem>> -> memref<32000xf32, #tpu.memory_space<vmem>>
    %dma_wait3A_154 = tpu.memref_slice %arg2[%add3A_145] : memref<10240000xf32, #tpu.memory_space<hbm>> -> memref<32000xf32, #tpu.memory_space<hbm>>
    tpu.wait_dma2 semaphore(%dma_wait3A_151 : memref<!tpu.dma_semaphore, #tpu.memory_space<semaphore_mem>>) src(%dma_wait3A_154 : memref<32000xf32, #tpu.memory_space<hbm>>) dst(%dma_wait3A_153 : memref<32000xf32, #tpu.memory_space<vmem>>)
    %add3A_155 = arith.constant 96000 : i32
    %add3A_156 = arith.addi %multiple_of3A, %add3A_155 : i32
    %dma_start3A_157 = arith.constant 0 : i32
    %dma_start3A_158 = arith.constant 0 : i32
    %dma_start3A_159 = tpu.memref_slice %arg4[%dma_start3A_158] : memref<96000xf32, #tpu.memory_space<vmem>> -> memref<32000xf32, #tpu.memory_space<vmem>>
    %dma_start3A_160 = tpu.memref_slice %arg3[%add3A_156] : memref<10240000xf32, #tpu.memory_space<hbm>> -> memref<32000xf32, #tpu.memory_space<hbm>>
    %dma_start3A_161 = tpu.memref_slice %arg6[%dma_start3A_157] : memref<3x!tpu.dma_semaphore, #tpu.memory_space<semaphore_mem>> -> memref<1x!tpu.dma_semaphore, #tpu.memory_space<semaphore_mem>>
    %dma_start3A_162 = tpu.memref_squeeze %dma_start3A_161 : memref<1x!tpu.dma_semaphore, #tpu.memory_space<semaphore_mem>> -> memref<!tpu.dma_semaphore, #tpu.memory_space<semaphore_mem>>
    %dma_start3A_163 = tpu.memref_slice %arg3[%add3A_156] : memref<10240000xf32, #tpu.memory_space<hbm>> -> memref<32000xf32, #tpu.memory_space<hbm>>
    %dma_start3A_164 = arith.constant 0 : i32
    %dma_start3A_165 = tpu.memref_slice %arg4[%dma_start3A_164] : memref<96000xf32, #tpu.memory_space<vmem>> -> memref<32000xf32, #tpu.memory_space<vmem>>
    tpu.enqueue_dma source(%dma_start3A_165 : memref<32000xf32, #tpu.memory_space<vmem>>) target(%dma_start3A_163 : memref<32000xf32, #tpu.memory_space<hbm>>) target_semaphore(%dma_start3A_162 : memref<!tpu.dma_semaphore, #tpu.memory_space<semaphore_mem>>)
    %add3A_166 = arith.constant 64000 : i32
    %add3A_167 = arith.addi %multiple_of3A, %add3A_166 : i32
    %dma_wait3A_168 = arith.constant 2 : i32
    %dma_wait3A_169 = arith.constant 64000 : i32
    %dma_wait3A_170 = tpu.memref_slice %arg4[%dma_wait3A_169] : memref<96000xf32, #tpu.memory_space<vmem>> -> memref<32000xf32, #tpu.memory_space<vmem>>
    %dma_wait3A_171 = tpu.memref_slice %arg3[%add3A_167] : memref<10240000xf32, #tpu.memory_space<hbm>> -> memref<32000xf32, #tpu.memory_space<hbm>>
    %dma_wait3A_172 = tpu.memref_slice %arg6[%dma_wait3A_168] : memref<3x!tpu.dma_semaphore, #tpu.memory_space<semaphore_mem>> -> memref<1x!tpu.dma_semaphore, #tpu.memory_space<semaphore_mem>>
    %dma_wait3A_173 = tpu.memref_squeeze %dma_wait3A_172 : memref<1x!tpu.dma_semaphore, #tpu.memory_space<semaphore_mem>> -> memref<!tpu.dma_semaphore, #tpu.memory_space<semaphore_mem>>
    %dma_wait3A_174 = tpu.memref_slice %arg3[%add3A_167] : memref<10240000xf32, #tpu.memory_space<hbm>> -> memref<32000xf32, #tpu.memory_space<hbm>>
    %dma_wait3A_175 = arith.constant 64000 : i32
    %dma_wait3A_176 = tpu.memref_slice %arg4[%dma_wait3A_175] : memref<96000xf32, #tpu.memory_space<vmem>> -> memref<32000xf32, #tpu.memory_space<vmem>>
    tpu.wait_dma2 semaphore(%dma_wait3A_173 : memref<!tpu.dma_semaphore, #tpu.memory_space<semaphore_mem>>) src(%dma_wait3A_176 : memref<32000xf32, #tpu.memory_space<vmem>>) dst(%dma_wait3A_174 : memref<32000xf32, #tpu.memory_space<hbm>>)
    %add3A_177 = arith.constant 160000 : i32
    %add3A_178 = arith.addi %multiple_of3A, %add3A_177 : i32
    %dma_start3A_179 = arith.constant 2 : i32
    %dma_start3A_180 = arith.constant 64000 : i32
    %dma_start3A_181 = tpu.memref_slice %arg4[%dma_start3A_180] : memref<96000xf32, #tpu.memory_space<vmem>> -> memref<32000xf32, #tpu.memory_space<vmem>>
    %dma_start3A_182 = tpu.memref_slice %arg2[%add3A_178] : memref<10240000xf32, #tpu.memory_space<hbm>> -> memref<32000xf32, #tpu.memory_space<hbm>>
    %dma_start3A_183 = tpu.memref_slice %arg5[%dma_start3A_179] : memref<3x!tpu.dma_semaphore, #tpu.memory_space<semaphore_mem>> -> memref<1x!tpu.dma_semaphore, #tpu.memory_space<semaphore_mem>>
    %dma_start3A_184 = tpu.memref_squeeze %dma_start3A_183 : memref<1x!tpu.dma_semaphore, #tpu.memory_space<semaphore_mem>> -> memref<!tpu.dma_semaphore, #tpu.memory_space<semaphore_mem>>
    %dma_start3A_185 = arith.constant 64000 : i32
    %dma_start3A_186 = tpu.memref_slice %arg4[%dma_start3A_185] : memref<96000xf32, #tpu.memory_space<vmem>> -> memref<32000xf32, #tpu.memory_space<vmem>>
    %dma_start3A_187 = tpu.memref_slice %arg2[%add3A_178] : memref<10240000xf32, #tpu.memory_space<hbm>> -> memref<32000xf32, #tpu.memory_space<hbm>>
    tpu.enqueue_dma source(%dma_start3A_187 : memref<32000xf32, #tpu.memory_space<hbm>>) target(%dma_start3A_186 : memref<32000xf32, #tpu.memory_space<vmem>>) target_semaphore(%dma_start3A_184 : memref<!tpu.dma_semaphore, #tpu.memory_space<semaphore_mem>>)
    %add3A_188 = arith.constant 128000 : i32
    %add3A_189 = arith.addi %multiple_of3A, %add3A_188 : i32
    %dma_wait3A_190 = arith.constant 1 : i32
    %dma_wait3A_191 = arith.constant 32000 : i32
    %dma_wait3A_192 = tpu.memref_slice %arg4[%dma_wait3A_191] : memref<96000xf32, #tpu.memory_space<vmem>> -> memref<32000xf32, #tpu.memory_space<vmem>>
    %dma_wait3A_193 = tpu.memref_slice %arg2[%add3A_189] : memref<10240000xf32, #tpu.memory_space<hbm>> -> memref<32000xf32, #tpu.memory_space<hbm>>
    %dma_wait3A_194 = tpu.memref_slice %arg5[%dma_wait3A_190] : memref<3x!tpu.dma_semaphore, #tpu.memory_space<semaphore_mem>> -> memref<1x!tpu.dma_semaphore, #tpu.memory_space<semaphore_mem>>
    %dma_wait3A_195 = tpu.memref_squeeze %dma_wait3A_194 : memref<1x!tpu.dma_semaphore, #tpu.memory_space<semaphore_mem>> -> memref<!tpu.dma_semaphore, #tpu.memory_space<semaphore_mem>>
    %dma_wait3A_196 = arith.constant 32000 : i32
    %dma_wait3A_197 = tpu.memref_slice %arg4[%dma_wait3A_196] : memref<96000xf32, #tpu.memory_space<vmem>> -> memref<32000xf32, #tpu.memory_space<vmem>>
    %dma_wait3A_198 = tpu.memref_slice %arg2[%add3A_189] : memref<10240000xf32, #tpu.memory_space<hbm>> -> memref<32000xf32, #tpu.memory_space<hbm>>
    tpu.wait_dma2 semaphore(%dma_wait3A_195 : memref<!tpu.dma_semaphore, #tpu.memory_space<semaphore_mem>>) src(%dma_wait3A_198 : memref<32000xf32, #tpu.memory_space<hbm>>) dst(%dma_wait3A_197 : memref<32000xf32, #tpu.memory_space<vmem>>)
    %add3A_199 = arith.constant 128000 : i32
    %add3A_200 = arith.addi %multiple_of3A, %add3A_199 : i32
    %dma_start3A_201 = arith.constant 1 : i32
    %dma_start3A_202 = arith.constant 32000 : i32
    %dma_start3A_203 = tpu.memref_slice %arg4[%dma_start3A_202] : memref<96000xf32, #tpu.memory_space<vmem>> -> memref<32000xf32, #tpu.memory_space<vmem>>
    %dma_start3A_204 = tpu.memref_slice %arg3[%add3A_200] : memref<10240000xf32, #tpu.memory_space<hbm>> -> memref<32000xf32, #tpu.memory_space<hbm>>
    %dma_start3A_205 = tpu.memref_slice %arg6[%dma_start3A_201] : memref<3x!tpu.dma_semaphore, #tpu.memory_space<semaphore_mem>> -> memref<1x!tpu.dma_semaphore, #tpu.memory_space<semaphore_mem>>
    %dma_start3A_206 = tpu.memref_squeeze %dma_start3A_205 : memref<1x!tpu.dma_semaphore, #tpu.memory_space<semaphore_mem>> -> memref<!tpu.dma_semaphore, #tpu.memory_space<semaphore_mem>>
    %dma_start3A_207 = tpu.memref_slice %arg3[%add3A_200] : memref<10240000xf32, #tpu.memory_space<hbm>> -> memref<32000xf32, #tpu.memory_space<hbm>>
    %dma_start3A_208 = arith.constant 32000 : i32
    %dma_start3A_209 = tpu.memref_slice %arg4[%dma_start3A_208] : memref<96000xf32, #tpu.memory_space<vmem>> -> memref<32000xf32, #tpu.memory_space<vmem>>
    tpu.enqueue_dma source(%dma_start3A_209 : memref<32000xf32, #tpu.memory_space<vmem>>) target(%dma_start3A_207 : memref<32000xf32, #tpu.memory_space<hbm>>) target_semaphore(%dma_start3A_206 : memref<!tpu.dma_semaphore, #tpu.memory_space<semaphore_mem>>)
    %add3A_210 = arith.constant 96000 : i32
    %add3A_211 = arith.addi %multiple_of3A, %add3A_210 : i32
    %dma_wait3A_212 = arith.constant 0 : i32
    %dma_wait3A_213 = arith.constant 0 : i32
    %dma_wait3A_214 = tpu.memref_slice %arg4[%dma_wait3A_213] : memref<96000xf32, #tpu.memory_space<vmem>> -> memref<32000xf32, #tpu.memory_space<vmem>>
    %dma_wait3A_215 = tpu.memref_slice %arg3[%add3A_211] : memref<10240000xf32, #tpu.memory_space<hbm>> -> memref<32000xf32, #tpu.memory_space<hbm>>
    %dma_wait3A_216 = tpu.memref_slice %arg6[%dma_wait3A_212] : memref<3x!tpu.dma_semaphore, #tpu.memory_space<semaphore_mem>> -> memref<1x!tpu.dma_semaphore, #tpu.memory_space<semaphore_mem>>
    %dma_wait3A_217 = tpu.memref_squeeze %dma_wait3A_216 : memref<1x!tpu.dma_semaphore, #tpu.memory_space<semaphore_mem>> -> memref<!tpu.dma_semaphore, #tpu.memory_space<semaphore_mem>>
    %dma_wait3A_218 = tpu.memref_slice %arg3[%add3A_211] : memref<10240000xf32, #tpu.memory_space<hbm>> -> memref<32000xf32, #tpu.memory_space<hbm>>
    %dma_wait3A_219 = arith.constant 0 : i32
    %dma_wait3A_220 = tpu.memref_slice %arg4[%dma_wait3A_219] : memref<96000xf32, #tpu.memory_space<vmem>> -> memref<32000xf32, #tpu.memory_space<vmem>>
    tpu.wait_dma2 semaphore(%dma_wait3A_217 : memref<!tpu.dma_semaphore, #tpu.memory_space<semaphore_mem>>) src(%dma_wait3A_220 : memref<32000xf32, #tpu.memory_space<vmem>>) dst(%dma_wait3A_218 : memref<32000xf32, #tpu.memory_space<hbm>>)
    %add3A_221 = arith.constant 192000 : i32
    %add3A_222 = arith.addi %multiple_of3A, %add3A_221 : i32
    %dma_start3A_223 = arith.constant 0 : i32
    %dma_start3A_224 = arith.constant 0 : i32
    %dma_start3A_225 = tpu.memref_slice %arg4[%dma_start3A_224] : memref<96000xf32, #tpu.memory_space<vmem>> -> memref<32000xf32, #tpu.memory_space<vmem>>
    %dma_start3A_226 = tpu.memref_slice %arg2[%add3A_222] : memref<10240000xf32, #tpu.memory_space<hbm>> -> memref<32000xf32, #tpu.memory_space<hbm>>
    %dma_start3A_227 = tpu.memref_slice %arg5[%dma_start3A_223] : memref<3x!tpu.dma_semaphore, #tpu.memory_space<semaphore_mem>> -> memref<1x!tpu.dma_semaphore, #tpu.memory_space<semaphore_mem>>
    %dma_start3A_228 = tpu.memref_squeeze %dma_start3A_227 : memref<1x!tpu.dma_semaphore, #tpu.memory_space<semaphore_mem>> -> memref<!tpu.dma_semaphore, #tpu.memory_space<semaphore_mem>>
    %dma_start3A_229 = arith.constant 0 : i32
    %dma_start3A_230 = tpu.memref_slice %arg4[%dma_start3A_229] : memref<96000xf32, #tpu.memory_space<vmem>> -> memref<32000xf32, #tpu.memory_space<vmem>>
    %dma_start3A_231 = tpu.memref_slice %arg2[%add3A_222] : memref<10240000xf32, #tpu.memory_space<hbm>> -> memref<32000xf32, #tpu.memory_space<hbm>>
    tpu.enqueue_dma source(%dma_start3A_231 : memref<32000xf32, #tpu.memory_space<hbm>>) target(%dma_start3A_230 : memref<32000xf32, #tpu.memory_space<vmem>>) target_semaphore(%dma_start3A_228 : memref<!tpu.dma_semaphore, #tpu.memory_space<semaphore_mem>>)
    %add3A_232 = arith.constant 160000 : i32
    %add3A_233 = arith.addi %multiple_of3A, %add3A_232 : i32
    %dma_wait3A_234 = arith.constant 2 : i32
    %dma_wait3A_235 = arith.constant 64000 : i32
    %dma_wait3A_236 = tpu.memref_slice %arg4[%dma_wait3A_235] : memref<96000xf32, #tpu.memory_space<vmem>> -> memref<32000xf32, #tpu.memory_space<vmem>>
    %dma_wait3A_237 = tpu.memref_slice %arg2[%add3A_233] : memref<10240000xf32, #tpu.memory_space<hbm>> -> memref<32000xf32, #tpu.memory_space<hbm>>
    %dma_wait3A_238 = tpu.memref_slice %arg5[%dma_wait3A_234] : memref<3x!tpu.dma_semaphore, #tpu.memory_space<semaphore_mem>> -> memref<1x!tpu.dma_semaphore, #tpu.memory_space<semaphore_mem>>
    %dma_wait3A_239 = tpu.memref_squeeze %dma_wait3A_238 : memref<1x!tpu.dma_semaphore, #tpu.memory_space<semaphore_mem>> -> memref<!tpu.dma_semaphore, #tpu.memory_space<semaphore_mem>>
    %dma_wait3A_240 = arith.constant 64000 : i32
    %dma_wait3A_241 = tpu.memref_slice %arg4[%dma_wait3A_240] : memref<96000xf32, #tpu.memory_space<vmem>> -> memref<32000xf32, #tpu.memory_space<vmem>>
    %dma_wait3A_242 = tpu.memref_slice %arg2[%add3A_233] : memref<10240000xf32, #tpu.memory_space<hbm>> -> memref<32000xf32, #tpu.memory_space<hbm>>
    tpu.wait_dma2 semaphore(%dma_wait3A_239 : memref<!tpu.dma_semaphore, #tpu.memory_space<semaphore_mem>>) src(%dma_wait3A_242 : memref<32000xf32, #tpu.memory_space<hbm>>) dst(%dma_wait3A_241 : memref<32000xf32, #tpu.memory_space<vmem>>)
    %add3A_243 = arith.constant 160000 : i32
    %add3A_244 = arith.addi %multiple_of3A, %add3A_243 : i32
    %dma_start3A_245 = arith.constant 2 : i32
    %dma_start3A_246 = arith.constant 64000 : i32
    %dma_start3A_247 = tpu.memref_slice %arg4[%dma_start3A_246] : memref<96000xf32, #tpu.memory_space<vmem>> -> memref<32000xf32, #tpu.memory_space<vmem>>
    %dma_start3A_248 = tpu.memref_slice %arg3[%add3A_244] : memref<10240000xf32, #tpu.memory_space<hbm>> -> memref<32000xf32, #tpu.memory_space<hbm>>
    %dma_start3A_249 = tpu.memref_slice %arg6[%dma_start3A_245] : memref<3x!tpu.dma_semaphore, #tpu.memory_space<semaphore_mem>> -> memref<1x!tpu.dma_semaphore, #tpu.memory_space<semaphore_mem>>
    %dma_start3A_250 = tpu.memref_squeeze %dma_start3A_249 : memref<1x!tpu.dma_semaphore, #tpu.memory_space<semaphore_mem>> -> memref<!tpu.dma_semaphore, #tpu.memory_space<semaphore_mem>>
    %dma_start3A_251 = tpu.memref_slice %arg3[%add3A_244] : memref<10240000xf32, #tpu.memory_space<hbm>> -> memref<32000xf32, #tpu.memory_space<hbm>>
    %dma_start3A_252 = arith.constant 64000 : i32
    %dma_start3A_253 = tpu.memref_slice %arg4[%dma_start3A_252] : memref<96000xf32, #tpu.memory_space<vmem>> -> memref<32000xf32, #tpu.memory_space<vmem>>
    tpu.enqueue_dma source(%dma_start3A_253 : memref<32000xf32, #tpu.memory_space<vmem>>) target(%dma_start3A_251 : memref<32000xf32, #tpu.memory_space<hbm>>) target_semaphore(%dma_start3A_250 : memref<!tpu.dma_semaphore, #tpu.memory_space<semaphore_mem>>)
    %add3A_254 = arith.constant 128000 : i32
    %add3A_255 = arith.addi %multiple_of3A, %add3A_254 : i32
    %dma_wait3A_256 = arith.constant 1 : i32
    %dma_wait3A_257 = arith.constant 32000 : i32
    %dma_wait3A_258 = tpu.memref_slice %arg4[%dma_wait3A_257] : memref<96000xf32, #tpu.memory_space<vmem>> -> memref<32000xf32, #tpu.memory_space<vmem>>
    %dma_wait3A_259 = tpu.memref_slice %arg3[%add3A_255] : memref<10240000xf32, #tpu.memory_space<hbm>> -> memref<32000xf32, #tpu.memory_space<hbm>>
    %dma_wait3A_260 = tpu.memref_slice %arg6[%dma_wait3A_256] : memref<3x!tpu.dma_semaphore, #tpu.memory_space<semaphore_mem>> -> memref<1x!tpu.dma_semaphore, #tpu.memory_space<semaphore_mem>>
    %dma_wait3A_261 = tpu.memref_squeeze %dma_wait3A_260 : memref<1x!tpu.dma_semaphore, #tpu.memory_space<semaphore_mem>> -> memref<!tpu.dma_semaphore, #tpu.memory_space<semaphore_mem>>
    %dma_wait3A_262 = tpu.memref_slice %arg3[%add3A_255] : memref<10240000xf32, #tpu.memory_space<hbm>> -> memref<32000xf32, #tpu.memory_space<hbm>>
    %dma_wait3A_263 = arith.constant 32000 : i32
    %dma_wait3A_264 = tpu.memref_slice %arg4[%dma_wait3A_263] : memref<96000xf32, #tpu.memory_space<vmem>> -> memref<32000xf32, #tpu.memory_space<vmem>>
    tpu.wait_dma2 semaphore(%dma_wait3A_261 : memref<!tpu.dma_semaphore, #tpu.memory_space<semaphore_mem>>) src(%dma_wait3A_264 : memref<32000xf32, #tpu.memory_space<vmem>>) dst(%dma_wait3A_262 : memref<32000xf32, #tpu.memory_space<hbm>>)
    %add3A_265 = arith.constant 224000 : i32
    %add3A_266 = arith.addi %multiple_of3A, %add3A_265 : i32
    %dma_start3A_267 = arith.constant 1 : i32
    %dma_start3A_268 = arith.constant 32000 : i32
    %dma_start3A_269 = tpu.memref_slice %arg4[%dma_start3A_268] : memref<96000xf32, #tpu.memory_space<vmem>> -> memref<32000xf32, #tpu.memory_space<vmem>>
    %dma_start3A_270 = tpu.memref_slice %arg2[%add3A_266] : memref<10240000xf32, #tpu.memory_space<hbm>> -> memref<32000xf32, #tpu.memory_space<hbm>>
    %dma_start3A_271 = tpu.memref_slice %arg5[%dma_start3A_267] : memref<3x!tpu.dma_semaphore, #tpu.memory_space<semaphore_mem>> -> memref<1x!tpu.dma_semaphore, #tpu.memory_space<semaphore_mem>>
    %dma_start3A_272 = tpu.memref_squeeze %dma_start3A_271 : memref<1x!tpu.dma_semaphore, #tpu.memory_space<semaphore_mem>> -> memref<!tpu.dma_semaphore, #tpu.memory_space<semaphore_mem>>
    %dma_start3A_273 = arith.constant 32000 : i32
    %dma_start3A_274 = tpu.memref_slice %arg4[%dma_start3A_273] : memref<96000xf32, #tpu.memory_space<vmem>> -> memref<32000xf32, #tpu.memory_space<vmem>>
    %dma_start3A_275 = tpu.memref_slice %arg2[%add3A_266] : memref<10240000xf32, #tpu.memory_space<hbm>> -> memref<32000xf32, #tpu.memory_space<hbm>>
    tpu.enqueue_dma source(%dma_start3A_275 : memref<32000xf32, #tpu.memory_space<hbm>>) target(%dma_start3A_274 : memref<32000xf32, #tpu.memory_space<vmem>>) target_semaphore(%dma_start3A_272 : memref<!tpu.dma_semaphore, #tpu.memory_space<semaphore_mem>>)
    %add3A_276 = arith.constant 192000 : i32
    %add3A_277 = arith.addi %multiple_of3A, %add3A_276 : i32
    %dma_wait3A_278 = arith.constant 0 : i32
    %dma_wait3A_279 = arith.constant 0 : i32
    %dma_wait3A_280 = tpu.memref_slice %arg4[%dma_wait3A_279] : memref<96000xf32, #tpu.memory_space<vmem>> -> memref<32000xf32, #tpu.memory_space<vmem>>
    %dma_wait3A_281 = tpu.memref_slice %arg2[%add3A_277] : memref<10240000xf32, #tpu.memory_space<hbm>> -> memref<32000xf32, #tpu.memory_space<hbm>>
    %dma_wait3A_282 = tpu.memref_slice %arg5[%dma_wait3A_278] : memref<3x!tpu.dma_semaphore, #tpu.memory_space<semaphore_mem>> -> memref<1x!tpu.dma_semaphore, #tpu.memory_space<semaphore_mem>>
    %dma_wait3A_283 = tpu.memref_squeeze %dma_wait3A_282 : memref<1x!tpu.dma_semaphore, #tpu.memory_space<semaphore_mem>> -> memref<!tpu.dma_semaphore, #tpu.memory_space<semaphore_mem>>
    %dma_wait3A_284 = arith.constant 0 : i32
    %dma_wait3A_285 = tpu.memref_slice %arg4[%dma_wait3A_284] : memref<96000xf32, #tpu.memory_space<vmem>> -> memref<32000xf32, #tpu.memory_space<vmem>>
    %dma_wait3A_286 = tpu.memref_slice %arg2[%add3A_277] : memref<10240000xf32, #tpu.memory_space<hbm>> -> memref<32000xf32, #tpu.memory_space<hbm>>
    tpu.wait_dma2 semaphore(%dma_wait3A_283 : memref<!tpu.dma_semaphore, #tpu.memory_space<semaphore_mem>>) src(%dma_wait3A_286 : memref<32000xf32, #tpu.memory_space<hbm>>) dst(%dma_wait3A_285 : memref<32000xf32, #tpu.memory_space<vmem>>)
    %add3A_287 = arith.constant 192000 : i32
    %add3A_288 = arith.addi %multiple_of3A, %add3A_287 : i32
    %dma_start3A_289 = arith.constant 0 : i32
    %dma_start3A_290 = arith.constant 0 : i32
    %dma_start3A_291 = tpu.memref_slice %arg4[%dma_start3A_290] : memref<96000xf32, #tpu.memory_space<vmem>> -> memref<32000xf32, #tpu.memory_space<vmem>>
    %dma_start3A_292 = tpu.memref_slice %arg3[%add3A_288] : memref<10240000xf32, #tpu.memory_space<hbm>> -> memref<32000xf32, #tpu.memory_space<hbm>>
    %dma_start3A_293 = tpu.memref_slice %arg6[%dma_start3A_289] : memref<3x!tpu.dma_semaphore, #tpu.memory_space<semaphore_mem>> -> memref<1x!tpu.dma_semaphore, #tpu.memory_space<semaphore_mem>>
    %dma_start3A_294 = tpu.memref_squeeze %dma_start3A_293 : memref<1x!tpu.dma_semaphore, #tpu.memory_space<semaphore_mem>> -> memref<!tpu.dma_semaphore, #tpu.memory_space<semaphore_mem>>
    %dma_start3A_295 = tpu.memref_slice %arg3[%add3A_288] : memref<10240000xf32, #tpu.memory_space<hbm>> -> memref<32000xf32, #tpu.memory_space<hbm>>
    %dma_start3A_296 = arith.constant 0 : i32
    %dma_start3A_297 = tpu.memref_slice %arg4[%dma_start3A_296] : memref<96000xf32, #tpu.memory_space<vmem>> -> memref<32000xf32, #tpu.memory_space<vmem>>
    tpu.enqueue_dma source(%dma_start3A_297 : memref<32000xf32, #tpu.memory_space<vmem>>) target(%dma_start3A_295 : memref<32000xf32, #tpu.memory_space<hbm>>) target_semaphore(%dma_start3A_294 : memref<!tpu.dma_semaphore, #tpu.memory_space<semaphore_mem>>)
    %add3A_298 = arith.constant 160000 : i32
    %add3A_299 = arith.addi %multiple_of3A, %add3A_298 : i32
    %dma_wait3A_300 = arith.constant 2 : i32
    %dma_wait3A_301 = arith.constant 64000 : i32
    %dma_wait3A_302 = tpu.memref_slice %arg4[%dma_wait3A_301] : memref<96000xf32, #tpu.memory_space<vmem>> -> memref<32000xf32, #tpu.memory_space<vmem>>
    %dma_wait3A_303 = tpu.memref_slice %arg3[%add3A_299] : memref<10240000xf32, #tpu.memory_space<hbm>> -> memref<32000xf32, #tpu.memory_space<hbm>>
    %dma_wait3A_304 = tpu.memref_slice %arg6[%dma_wait3A_300] : memref<3x!tpu.dma_semaphore, #tpu.memory_space<semaphore_mem>> -> memref<1x!tpu.dma_semaphore, #tpu.memory_space<semaphore_mem>>
    %dma_wait3A_305 = tpu.memref_squeeze %dma_wait3A_304 : memref<1x!tpu.dma_semaphore, #tpu.memory_space<semaphore_mem>> -> memref<!tpu.dma_semaphore, #tpu.memory_space<semaphore_mem>>
    %dma_wait3A_306 = tpu.memref_slice %arg3[%add3A_299] : memref<10240000xf32, #tpu.memory_space<hbm>> -> memref<32000xf32, #tpu.memory_space<hbm>>
    %dma_wait3A_307 = arith.constant 64000 : i32
    %dma_wait3A_308 = tpu.memref_slice %arg4[%dma_wait3A_307] : memref<96000xf32, #tpu.memory_space<vmem>> -> memref<32000xf32, #tpu.memory_space<vmem>>
    tpu.wait_dma2 semaphore(%dma_wait3A_305 : memref<!tpu.dma_semaphore, #tpu.memory_space<semaphore_mem>>) src(%dma_wait3A_308 : memref<32000xf32, #tpu.memory_space<vmem>>) dst(%dma_wait3A_306 : memref<32000xf32, #tpu.memory_space<hbm>>)
    %add3A_309 = arith.constant 256000 : i32
    %add3A_310 = arith.addi %multiple_of3A, %add3A_309 : i32
    %dma_start3A_311 = arith.constant 2 : i32
    %dma_start3A_312 = arith.constant 64000 : i32
    %dma_start3A_313 = tpu.memref_slice %arg4[%dma_start3A_312] : memref<96000xf32, #tpu.memory_space<vmem>> -> memref<32000xf32, #tpu.memory_space<vmem>>
    %dma_start3A_314 = tpu.memref_slice %arg2[%add3A_310] : memref<10240000xf32, #tpu.memory_space<hbm>> -> memref<32000xf32, #tpu.memory_space<hbm>>
    %dma_start3A_315 = tpu.memref_slice %arg5[%dma_start3A_311] : memref<3x!tpu.dma_semaphore, #tpu.memory_space<semaphore_mem>> -> memref<1x!tpu.dma_semaphore, #tpu.memory_space<semaphore_mem>>
    %dma_start3A_316 = tpu.memref_squeeze %dma_start3A_315 : memref<1x!tpu.dma_semaphore, #tpu.memory_space<semaphore_mem>> -> memref<!tpu.dma_semaphore, #tpu.memory_space<semaphore_mem>>
    %dma_start3A_317 = arith.constant 64000 : i32
    %dma_start3A_318 = tpu.memref_slice %arg4[%dma_start3A_317] : memref<96000xf32, #tpu.memory_space<vmem>> -> memref<32000xf32, #tpu.memory_space<vmem>>
    %dma_start3A_319 = tpu.memref_slice %arg2[%add3A_310] : memref<10240000xf32, #tpu.memory_space<hbm>> -> memref<32000xf32, #tpu.memory_space<hbm>>
    tpu.enqueue_dma source(%dma_start3A_319 : memref<32000xf32, #tpu.memory_space<hbm>>) target(%dma_start3A_318 : memref<32000xf32, #tpu.memory_space<vmem>>) target_semaphore(%dma_start3A_316 : memref<!tpu.dma_semaphore, #tpu.memory_space<semaphore_mem>>)
    %add3A_320 = arith.constant 224000 : i32
    %add3A_321 = arith.addi %multiple_of3A, %add3A_320 : i32
    %dma_wait3A_322 = arith.constant 1 : i32
    %dma_wait3A_323 = arith.constant 32000 : i32
    %dma_wait3A_324 = tpu.memref_slice %arg4[%dma_wait3A_323] : memref<96000xf32, #tpu.memory_space<vmem>> -> memref<32000xf32, #tpu.memory_space<vmem>>
    %dma_wait3A_325 = tpu.memref_slice %arg2[%add3A_321] : memref<10240000xf32, #tpu.memory_space<hbm>> -> memref<32000xf32, #tpu.memory_space<hbm>>
    %dma_wait3A_326 = tpu.memref_slice %arg5[%dma_wait3A_322] : memref<3x!tpu.dma_semaphore, #tpu.memory_space<semaphore_mem>> -> memref<1x!tpu.dma_semaphore, #tpu.memory_space<semaphore_mem>>
    %dma_wait3A_327 = tpu.memref_squeeze %dma_wait3A_326 : memref<1x!tpu.dma_semaphore, #tpu.memory_space<semaphore_mem>> -> memref<!tpu.dma_semaphore, #tpu.memory_space<semaphore_mem>>
    %dma_wait3A_328 = arith.constant 32000 : i32
    %dma_wait3A_329 = tpu.memref_slice %arg4[%dma_wait3A_328] : memref<96000xf32, #tpu.memory_space<vmem>> -> memref<32000xf32, #tpu.memory_space<vmem>>
    %dma_wait3A_330 = tpu.memref_slice %arg2[%add3A_321] : memref<10240000xf32, #tpu.memory_space<hbm>> -> memref<32000xf32, #tpu.memory_space<hbm>>
    tpu.wait_dma2 semaphore(%dma_wait3A_327 : memref<!tpu.dma_semaphore, #tpu.memory_space<semaphore_mem>>) src(%dma_wait3A_330 : memref<32000xf32, #tpu.memory_space<hbm>>) dst(%dma_wait3A_329 : memref<32000xf32, #tpu.memory_space<vmem>>)
    %add3A_331 = arith.constant 224000 : i32
    %add3A_332 = arith.addi %multiple_of3A, %add3A_331 : i32
    %dma_start3A_333 = arith.constant 1 : i32
    %dma_start3A_334 = arith.constant 32000 : i32
    %dma_start3A_335 = tpu.memref_slice %arg4[%dma_start3A_334] : memref<96000xf32, #tpu.memory_space<vmem>> -> memref<32000xf32, #tpu.memory_space<vmem>>
    %dma_start3A_336 = tpu.memref_slice %arg3[%add3A_332] : memref<10240000xf32, #tpu.memory_space<hbm>> -> memref<32000xf32, #tpu.memory_space<hbm>>
    %dma_start3A_337 = tpu.memref_slice %arg6[%dma_start3A_333] : memref<3x!tpu.dma_semaphore, #tpu.memory_space<semaphore_mem>> -> memref<1x!tpu.dma_semaphore, #tpu.memory_space<semaphore_mem>>
    %dma_start3A_338 = tpu.memref_squeeze %dma_start3A_337 : memref<1x!tpu.dma_semaphore, #tpu.memory_space<semaphore_mem>> -> memref<!tpu.dma_semaphore, #tpu.memory_space<semaphore_mem>>
    %dma_start3A_339 = tpu.memref_slice %arg3[%add3A_332] : memref<10240000xf32, #tpu.memory_space<hbm>> -> memref<32000xf32, #tpu.memory_space<hbm>>
    %dma_start3A_340 = arith.constant 32000 : i32
    %dma_start3A_341 = tpu.memref_slice %arg4[%dma_start3A_340] : memref<96000xf32, #tpu.memory_space<vmem>> -> memref<32000xf32, #tpu.memory_space<vmem>>
    tpu.enqueue_dma source(%dma_start3A_341 : memref<32000xf32, #tpu.memory_space<vmem>>) target(%dma_start3A_339 : memref<32000xf32, #tpu.memory_space<hbm>>) target_semaphore(%dma_start3A_338 : memref<!tpu.dma_semaphore, #tpu.memory_space<semaphore_mem>>)
    %add3A_342 = arith.constant 192000 : i32
    %add3A_343 = arith.addi %multiple_of3A, %add3A_342 : i32
    %dma_wait3A_344 = arith.constant 0 : i32
    %dma_wait3A_345 = arith.constant 0 : i32
    %dma_wait3A_346 = tpu.memref_slice %arg4[%dma_wait3A_345] : memref<96000xf32, #tpu.memory_space<vmem>> -> memref<32000xf32, #tpu.memory_space<vmem>>
    %dma_wait3A_347 = tpu.memref_slice %arg3[%add3A_343] : memref<10240000xf32, #tpu.memory_space<hbm>> -> memref<32000xf32, #tpu.memory_space<hbm>>
    %dma_wait3A_348 = tpu.memref_slice %arg6[%dma_wait3A_344] : memref<3x!tpu.dma_semaphore, #tpu.memory_space<semaphore_mem>> -> memref<1x!tpu.dma_semaphore, #tpu.memory_space<semaphore_mem>>
    %dma_wait3A_349 = tpu.memref_squeeze %dma_wait3A_348 : memref<1x!tpu.dma_semaphore, #tpu.memory_space<semaphore_mem>> -> memref<!tpu.dma_semaphore, #tpu.memory_space<semaphore_mem>>
    %dma_wait3A_350 = tpu.memref_slice %arg3[%add3A_343] : memref<10240000xf32, #tpu.memory_space<hbm>> -> memref<32000xf32, #tpu.memory_space<hbm>>
    %dma_wait3A_351 = arith.constant 0 : i32
    %dma_wait3A_352 = tpu.memref_slice %arg4[%dma_wait3A_351] : memref<96000xf32, #tpu.memory_space<vmem>> -> memref<32000xf32, #tpu.memory_space<vmem>>
    tpu.wait_dma2 semaphore(%dma_wait3A_349 : memref<!tpu.dma_semaphore, #tpu.memory_space<semaphore_mem>>) src(%dma_wait3A_352 : memref<32000xf32, #tpu.memory_space<vmem>>) dst(%dma_wait3A_350 : memref<32000xf32, #tpu.memory_space<hbm>>)
    %add3A_353 = arith.constant 288000 : i32
    %add3A_354 = arith.addi %multiple_of3A, %add3A_353 : i32
    %dma_start3A_355 = arith.constant 0 : i32
    %dma_start3A_356 = arith.constant 0 : i32
    %dma_start3A_357 = tpu.memref_slice %arg4[%dma_start3A_356] : memref<96000xf32, #tpu.memory_space<vmem>> -> memref<32000xf32, #tpu.memory_space<vmem>>
    %dma_start3A_358 = tpu.memref_slice %arg2[%add3A_354] : memref<10240000xf32, #tpu.memory_space<hbm>> -> memref<32000xf32, #tpu.memory_space<hbm>>
    %dma_start3A_359 = tpu.memref_slice %arg5[%dma_start3A_355] : memref<3x!tpu.dma_semaphore, #tpu.memory_space<semaphore_mem>> -> memref<1x!tpu.dma_semaphore, #tpu.memory_space<semaphore_mem>>
    %dma_start3A_360 = tpu.memref_squeeze %dma_start3A_359 : memref<1x!tpu.dma_semaphore, #tpu.memory_space<semaphore_mem>> -> memref<!tpu.dma_semaphore, #tpu.memory_space<semaphore_mem>>
    %dma_start3A_361 = arith.constant 0 : i32
    %dma_start3A_362 = tpu.memref_slice %arg4[%dma_start3A_361] : memref<96000xf32, #tpu.memory_space<vmem>> -> memref<32000xf32, #tpu.memory_space<vmem>>
    %dma_start3A_363 = tpu.memref_slice %arg2[%add3A_354] : memref<10240000xf32, #tpu.memory_space<hbm>> -> memref<32000xf32, #tpu.memory_space<hbm>>
    tpu.enqueue_dma source(%dma_start3A_363 : memref<32000xf32, #tpu.memory_space<hbm>>) target(%dma_start3A_362 : memref<32000xf32, #tpu.memory_space<vmem>>) target_semaphore(%dma_start3A_360 : memref<!tpu.dma_semaphore, #tpu.memory_space<semaphore_mem>>)
    %add3A_364 = arith.constant 256000 : i32
    %add3A_365 = arith.addi %multiple_of3A, %add3A_364 : i32
    %dma_wait3A_366 = arith.constant 2 : i32
    %dma_wait3A_367 = arith.constant 64000 : i32
    %dma_wait3A_368 = tpu.memref_slice %arg4[%dma_wait3A_367] : memref<96000xf32, #tpu.memory_space<vmem>> -> memref<32000xf32, #tpu.memory_space<vmem>>
    %dma_wait3A_369 = tpu.memref_slice %arg2[%add3A_365] : memref<10240000xf32, #tpu.memory_space<hbm>> -> memref<32000xf32, #tpu.memory_space<hbm>>
    %dma_wait3A_370 = tpu.memref_slice %arg5[%dma_wait3A_366] : memref<3x!tpu.dma_semaphore, #tpu.memory_space<semaphore_mem>> -> memref<1x!tpu.dma_semaphore, #tpu.memory_space<semaphore_mem>>
    %dma_wait3A_371 = tpu.memref_squeeze %dma_wait3A_370 : memref<1x!tpu.dma_semaphore, #tpu.memory_space<semaphore_mem>> -> memref<!tpu.dma_semaphore, #tpu.memory_space<semaphore_mem>>
    %dma_wait3A_372 = arith.constant 64000 : i32
    %dma_wait3A_373 = tpu.memref_slice %arg4[%dma_wait3A_372] : memref<96000xf32, #tpu.memory_space<vmem>> -> memref<32000xf32, #tpu.memory_space<vmem>>
    %dma_wait3A_374 = tpu.memref_slice %arg2[%add3A_365] : memref<10240000xf32, #tpu.memory_space<hbm>> -> memref<32000xf32, #tpu.memory_space<hbm>>
    tpu.wait_dma2 semaphore(%dma_wait3A_371 : memref<!tpu.dma_semaphore, #tpu.memory_space<semaphore_mem>>) src(%dma_wait3A_374 : memref<32000xf32, #tpu.memory_space<hbm>>) dst(%dma_wait3A_373 : memref<32000xf32, #tpu.memory_space<vmem>>)
    %add3A_375 = arith.constant 256000 : i32
    %add3A_376 = arith.addi %multiple_of3A, %add3A_375 : i32
    %dma_start3A_377 = arith.constant 2 : i32
    %dma_start3A_378 = arith.constant 64000 : i32
    %dma_start3A_379 = tpu.memref_slice %arg4[%dma_start3A_378] : memref<96000xf32, #tpu.memory_space<vmem>> -> memref<32000xf32, #tpu.memory_space<vmem>>
    %dma_start3A_380 = tpu.memref_slice %arg3[%add3A_376] : memref<10240000xf32, #tpu.memory_space<hbm>> -> memref<32000xf32, #tpu.memory_space<hbm>>
    %dma_start3A_381 = tpu.memref_slice %arg6[%dma_start3A_377] : memref<3x!tpu.dma_semaphore, #tpu.memory_space<semaphore_mem>> -> memref<1x!tpu.dma_semaphore, #tpu.memory_space<semaphore_mem>>
    %dma_start3A_382 = tpu.memref_squeeze %dma_start3A_381 : memref<1x!tpu.dma_semaphore, #tpu.memory_space<semaphore_mem>> -> memref<!tpu.dma_semaphore, #tpu.memory_space<semaphore_mem>>
    %dma_start3A_383 = tpu.memref_slice %arg3[%add3A_376] : memref<10240000xf32, #tpu.memory_space<hbm>> -> memref<32000xf32, #tpu.memory_space<hbm>>
    %dma_start3A_384 = arith.constant 64000 : i32
    %dma_start3A_385 = tpu.memref_slice %arg4[%dma_start3A_384] : memref<96000xf32, #tpu.memory_space<vmem>> -> memref<32000xf32, #tpu.memory_space<vmem>>
    tpu.enqueue_dma source(%dma_start3A_385 : memref<32000xf32, #tpu.memory_space<vmem>>) target(%dma_start3A_383 : memref<32000xf32, #tpu.memory_space<hbm>>) target_semaphore(%dma_start3A_382 : memref<!tpu.dma_semaphore, #tpu.memory_space<semaphore_mem>>)
    %add3A_386 = arith.constant 288000 : i32
    %add3A_387 = arith.addi %multiple_of3A, %add3A_386 : i32
    %dma_wait3A_388 = arith.constant 0 : i32
    %dma_wait3A_389 = arith.constant 0 : i32
    %dma_wait3A_390 = tpu.memref_slice %arg4[%dma_wait3A_389] : memref<96000xf32, #tpu.memory_space<vmem>> -> memref<32000xf32, #tpu.memory_space<vmem>>
    %dma_wait3A_391 = tpu.memref_slice %arg2[%add3A_387] : memref<10240000xf32, #tpu.memory_space<hbm>> -> memref<32000xf32, #tpu.memory_space<hbm>>
    %dma_wait3A_392 = tpu.memref_slice %arg5[%dma_wait3A_388] : memref<3x!tpu.dma_semaphore, #tpu.memory_space<semaphore_mem>> -> memref<1x!tpu.dma_semaphore, #tpu.memory_space<semaphore_mem>>
    %dma_wait3A_393 = tpu.memref_squeeze %dma_wait3A_392 : memref<1x!tpu.dma_semaphore, #tpu.memory_space<semaphore_mem>> -> memref<!tpu.dma_semaphore, #tpu.memory_space<semaphore_mem>>
    %dma_wait3A_394 = arith.constant 0 : i32
    %dma_wait3A_395 = tpu.memref_slice %arg4[%dma_wait3A_394] : memref<96000xf32, #tpu.memory_space<vmem>> -> memref<32000xf32, #tpu.memory_space<vmem>>
    %dma_wait3A_396 = tpu.memref_slice %arg2[%add3A_387] : memref<10240000xf32, #tpu.memory_space<hbm>> -> memref<32000xf32, #tpu.memory_space<hbm>>
    tpu.wait_dma2 semaphore(%dma_wait3A_393 : memref<!tpu.dma_semaphore, #tpu.memory_space<semaphore_mem>>) src(%dma_wait3A_396 : memref<32000xf32, #tpu.memory_space<hbm>>) dst(%dma_wait3A_395 : memref<32000xf32, #tpu.memory_space<vmem>>)
    %add3A_397 = arith.constant 288000 : i32
    %add3A_398 = arith.addi %multiple_of3A, %add3A_397 : i32
    %dma_start3A_399 = arith.constant 0 : i32
    %dma_start3A_400 = arith.constant 0 : i32
    %dma_start3A_401 = tpu.memref_slice %arg4[%dma_start3A_400] : memref<96000xf32, #tpu.memory_space<vmem>> -> memref<32000xf32, #tpu.memory_space<vmem>>
    %dma_start3A_402 = tpu.memref_slice %arg3[%add3A_398] : memref<10240000xf32, #tpu.memory_space<hbm>> -> memref<32000xf32, #tpu.memory_space<hbm>>
    %dma_start3A_403 = tpu.memref_slice %arg6[%dma_start3A_399] : memref<3x!tpu.dma_semaphore, #tpu.memory_space<semaphore_mem>> -> memref<1x!tpu.dma_semaphore, #tpu.memory_space<semaphore_mem>>
    %dma_start3A_404 = tpu.memref_squeeze %dma_start3A_403 : memref<1x!tpu.dma_semaphore, #tpu.memory_space<semaphore_mem>> -> memref<!tpu.dma_semaphore, #tpu.memory_space<semaphore_mem>>
    %dma_start3A_405 = tpu.memref_slice %arg3[%add3A_398] : memref<10240000xf32, #tpu.memory_space<hbm>> -> memref<32000xf32, #tpu.memory_space<hbm>>
    %dma_start3A_406 = arith.constant 0 : i32
    %dma_start3A_407 = tpu.memref_slice %arg4[%dma_start3A_406] : memref<96000xf32, #tpu.memory_space<vmem>> -> memref<32000xf32, #tpu.memory_space<vmem>>
    tpu.enqueue_dma source(%dma_start3A_407 : memref<32000xf32, #tpu.memory_space<vmem>>) target(%dma_start3A_405 : memref<32000xf32, #tpu.memory_space<hbm>>) target_semaphore(%dma_start3A_404 : memref<!tpu.dma_semaphore, #tpu.memory_space<semaphore_mem>>)
    %add3A_408 = arith.constant 224000 : i32
    %add3A_409 = arith.addi %multiple_of3A, %add3A_408 : i32
    %dma_wait3A_410 = arith.constant 1 : i32
    %dma_wait3A_411 = arith.constant 32000 : i32
    %dma_wait3A_412 = tpu.memref_slice %arg4[%dma_wait3A_411] : memref<96000xf32, #tpu.memory_space<vmem>> -> memref<32000xf32, #tpu.memory_space<vmem>>
    %dma_wait3A_413 = tpu.memref_slice %arg3[%add3A_409] : memref<10240000xf32, #tpu.memory_space<hbm>> -> memref<32000xf32, #tpu.memory_space<hbm>>
    %dma_wait3A_414 = tpu.memref_slice %arg6[%dma_wait3A_410] : memref<3x!tpu.dma_semaphore, #tpu.memory_space<semaphore_mem>> -> memref<1x!tpu.dma_semaphore, #tpu.memory_space<semaphore_mem>>
    %dma_wait3A_415 = tpu.memref_squeeze %dma_wait3A_414 : memref<1x!tpu.dma_semaphore, #tpu.memory_space<semaphore_mem>> -> memref<!tpu.dma_semaphore, #tpu.memory_space<semaphore_mem>>
    %dma_wait3A_416 = tpu.memref_slice %arg3[%add3A_409] : memref<10240000xf32, #tpu.memory_space<hbm>> -> memref<32000xf32, #tpu.memory_space<hbm>>
    %dma_wait3A_417 = arith.constant 32000 : i32
    %dma_wait3A_418 = tpu.memref_slice %arg4[%dma_wait3A_417] : memref<96000xf32, #tpu.memory_space<vmem>> -> memref<32000xf32, #tpu.memory_space<vmem>>
    tpu.wait_dma2 semaphore(%dma_wait3A_415 : memref<!tpu.dma_semaphore, #tpu.memory_space<semaphore_mem>>) src(%dma_wait3A_418 : memref<32000xf32, #tpu.memory_space<vmem>>) dst(%dma_wait3A_416 : memref<32000xf32, #tpu.memory_space<hbm>>)
    %add3A_419 = arith.constant 256000 : i32
    %add3A_420 = arith.addi %multiple_of3A, %add3A_419 : i32
    %dma_wait3A_421 = arith.constant 2 : i32
    %dma_wait3A_422 = arith.constant 64000 : i32
    %dma_wait3A_423 = tpu.memref_slice %arg4[%dma_wait3A_422] : memref<96000xf32, #tpu.memory_space<vmem>> -> memref<32000xf32, #tpu.memory_space<vmem>>
    %dma_wait3A_424 = tpu.memref_slice %arg3[%add3A_420] : memref<10240000xf32, #tpu.memory_space<hbm>> -> memref<32000xf32, #tpu.memory_space<hbm>>
    %dma_wait3A_425 = tpu.memref_slice %arg6[%dma_wait3A_421] : memref<3x!tpu.dma_semaphore, #tpu.memory_space<semaphore_mem>> -> memref<1x!tpu.dma_semaphore, #tpu.memory_space<semaphore_mem>>
    %dma_wait3A_426 = tpu.memref_squeeze %dma_wait3A_425 : memref<1x!tpu.dma_semaphore, #tpu.memory_space<semaphore_mem>> -> memref<!tpu.dma_semaphore, #tpu.memory_space<semaphore_mem>>
    %dma_wait3A_427 = tpu.memref_slice %arg3[%add3A_420] : memref<10240000xf32, #tpu.memory_space<hbm>> -> memref<32000xf32, #tpu.memory_space<hbm>>
    %dma_wait3A_428 = arith.constant 64000 : i32
    %dma_wait3A_429 = tpu.memref_slice %arg4[%dma_wait3A_428] : memref<96000xf32, #tpu.memory_space<vmem>> -> memref<32000xf32, #tpu.memory_space<vmem>>
    tpu.wait_dma2 semaphore(%dma_wait3A_426 : memref<!tpu.dma_semaphore, #tpu.memory_space<semaphore_mem>>) src(%dma_wait3A_429 : memref<32000xf32, #tpu.memory_space<vmem>>) dst(%dma_wait3A_427 : memref<32000xf32, #tpu.memory_space<hbm>>)
    %add3A_430 = arith.constant 288000 : i32
    %add3A_431 = arith.addi %multiple_of3A, %add3A_430 : i32
    %dma_wait3A_432 = arith.constant 0 : i32
    %dma_wait3A_433 = arith.constant 0 : i32
    %dma_wait3A_434 = tpu.memref_slice %arg4[%dma_wait3A_433] : memref<96000xf32, #tpu.memory_space<vmem>> -> memref<32000xf32, #tpu.memory_space<vmem>>
    %dma_wait3A_435 = tpu.memref_slice %arg3[%add3A_431] : memref<10240000xf32, #tpu.memory_space<hbm>> -> memref<32000xf32, #tpu.memory_space<hbm>>
    %dma_wait3A_436 = tpu.memref_slice %arg6[%dma_wait3A_432] : memref<3x!tpu.dma_semaphore, #tpu.memory_space<semaphore_mem>> -> memref<1x!tpu.dma_semaphore, #tpu.memory_space<semaphore_mem>>
    %dma_wait3A_437 = tpu.memref_squeeze %dma_wait3A_436 : memref<1x!tpu.dma_semaphore, #tpu.memory_space<semaphore_mem>> -> memref<!tpu.dma_semaphore, #tpu.memory_space<semaphore_mem>>
    %dma_wait3A_438 = tpu.memref_slice %arg3[%add3A_431] : memref<10240000xf32, #tpu.memory_space<hbm>> -> memref<32000xf32, #tpu.memory_space<hbm>>
    %dma_wait3A_439 = arith.constant 0 : i32
    %dma_wait3A_440 = tpu.memref_slice %arg4[%dma_wait3A_439] : memref<96000xf32, #tpu.memory_space<vmem>> -> memref<32000xf32, #tpu.memory_space<vmem>>
    tpu.wait_dma2 semaphore(%dma_wait3A_437 : memref<!tpu.dma_semaphore, #tpu.memory_space<semaphore_mem>>) src(%dma_wait3A_440 : memref<32000xf32, #tpu.memory_space<vmem>>) dst(%dma_wait3A_438 : memref<32000xf32, #tpu.memory_space<hbm>>)
    return
  }
}

</mosaic_0001>

<sc_bundles>
// kernel: kernel.3.cloned.1.call-start
scs
__scs_entry_jumppad:
0x0: {  	(pc) =	sbr.rel $0x88, $3  }
0x1: {  	(tag) =	ssettag $0x0;
	lr =	simm.s32 $0x1  }
0x2: {  	[smem:$0x3FA0] =	sst lr;
	_ =	strace $0xD0000000  }
0x3: {  	_ = 	snop  }
0x4: {  	_ = 	snop  }
0x5: {  	_ = 	snop  }
0x6: {  	_ = 	snop  }
0x7: {  	_ = 	snop  }
__scs_overlays_trampoline_lowered:
0x8: {  	[smem:$0x3FAF] =	sst s0  }
0x9: {  	[smem:$0x3FB0] =	sst s1  }
0xa: {  	[smem:$0x3FB1] =	sst s2  }
0xb: {  	[smem:$0x3FB2] =	sst s3  }
0xc: {  	[smem:$0x3FB3] =	sst s4  }
0xd: {  	[smem:$0x3FB4] =	sst s5  }
0xe: {  	[smem:$0x3FB5] =	sst s6  }
0xf: {  	[smem:$0x3FB6] =	sst s7  }
0x10: {  	[smem:$0x3FB7] =	sst s8  }
0x11: {  	[smem:$0x3FB8] =	sst s9;
	s0 =	simm.s32 @!p0 $0x0  }
0x12: {  	s1 =	sld [smem:$0x3F9E];
	s0 =	simm.s32 @p0 $0x1  }
0x13: {  	[smem:$0x3FB9] =	sst s0;
	s0 =	simm.s32 @!p1 $0x0  }
0x14: {  	s2 =	sld [smem:$0x3F9D];
	s0 =	simm.s32 @p1 $0x1  }
0x15: {  	[smem:$0x3FBA] =	sst s0;
	s0 =	simm.s32 @!p2 $0x0  }
0x16: {  	s3 =	sld [smem:$0x3FDB];
	s0 =	simm.s32 @p2 $0x1  }
0x17: {  	s4 =	simm.s32 $0x1BF5;
	[smem:$0x3FBC] =	sst s0  }
0x18: {  	s0 =	sld [smem:$0x3F9F];
	_ =	swait.ge [sflag:s4], $0x0  }
0x19: {  	s7 =	sld [smem:$0x3FA0]  }
0x1a: {  	s8 =	sadd.s32 $0xFFFFE003, lr  }
0x1b: {  	s9 =	sadd.s32 $0xFFFFFEF7, lr;
	s5 =	simm.s32 $0xFFFFFFFF;
	p2 =	slt.u32 s8, $0xFFFFF086  }
0x1c: {  	p1 =	slt.u32 s9, $0xF7A;
	s5 =	simm.s32 @!p2 $0x0  }
0x1d: {  	s5 =	simm.s32 @p1 $0x1;
	p0 =	seq.s32 s7, s2  }
0x1e: {  	s7 =	smul.u32 @!p0 $0xF7A, s2;
	p2 =	seq.s32 @!p0 s5, $0x0  }
0x1f: {  	s9 =	smul.u32 $0xF7A, s1;
	s8 =	simm.s32 @!p0 $0x1BF5;
	p2 =	por !p2, p0  }
0x20: {  	[sflag:s8] =	ssyncset.s32 @!p0 $0xFFFFF086;
	s6 =	sadd.s32 @!p0 s3, s7;
	s7 =	simm.s32 @!p0 $0x108  }
0x21: {  	s3 =	sadd.s32 s3, s9;
	s6 =	sadd.s32 @!p0 $0x88, s6;
	s7 =	simm.s32 @p2 $0x1082  }
0x22: {  	[simem:s7], [sflag:s8] =	dma.local @!p0 [hbm:s6], $0xF7A  }
0x23: {  	s9 =	sor.u32 $0xD0000000, s2;
	s6 =	simm.s32 $0x108;
	_ =	swait.ge @!p0 [sflag:s8], $0x0  }
0x24: {  	s3 =	sadd.s32 $0x88, s3;
	s6 =	simm.s32 @!p1 $0x1082;
	[sflag:s4] =	ssyncset.s32 $0xFFFFF086  }
0x25: {  	[simem:s6], [sflag:s4] =	dma.local [hbm:s3], $0xF7A  }
0x26: {  	[smem:$0x3FA0] =	sst s1;
	(tag) =	ssettag s2;
	_ =	strace s9  }
0x27: {  	s1 =	sld [smem:$0x3FB0]  }
0x28: {  	s2 =	sld [smem:$0x3FB1]  }
0x29: {  	s4 =	sld [smem:$0x3FB3]  }
0x2a: {  	p0 =	seq.s32 s5, $0x0;
	s5 =	sld [smem:$0x3FB4]  }
0x2b: {  	s6 =	sld [smem:$0x3FB5]  }
0x2c: {  	s7 =	sld [smem:$0x3FB6]  }
0x2d: {  	s3 =	simm.s32 $0x108;
	s8 =	sld [smem:$0x3FB7]  }
0x2e: {  	s3 =	simm.s32 @!p0 $0x1082;
	s9 =	sld [smem:$0x3FB8]  }
0x2f: {  	lr =	sadd.s32 s0, s3;
	s0 =	sld [smem:$0x3FAF]  }
0x30: {  	s3 =	sld [smem:$0x3FB2]  }
0x31: {  	[smem:$0x3FBB] =	sst s10  }
0x32: {  	s10 =	sld [smem:$0x3FB9];
	_ =	sdelay $0x3  }
0x33: {  	p0 =	seq.s32 s10, $0x1;
	s10 =	sld [smem:$0x3FBB];
	_ =	sdelay $0x3  }
0x34: {  	[smem:$0x3FBB] =	sst s10  }
0x35: {  	s10 =	sld [smem:$0x3FBA];
	_ =	sdelay $0x3  }
0x36: {  	p1 =	seq.s32 s10, $0x1;
	s10 =	sld [smem:$0x3FBB];
	_ =	sdelay $0x3  }
0x37: {  	[smem:$0x3FBB] =	sst s10  }
0x38: {  	s10 =	sld [smem:$0x3FBC]  }
0x39: {  	_ = 	snop;
	(pc) =	sbr.ind lr, $3  }
0x3a: {  	_ = 	snop  }
0x3b: {  	_ = 	snop  }
0x3c: {  	p2 =	seq.s32 s10, $0x1;
	s10 =	sld [smem:$0x3FBB]  }
0x3d: {  	_ =	shalt  }
0x3e: {  	_ =	shalt  }
0x3f: {  	_ =	shalt  }
0x40: {  	_ =	shalt  }
0x41: {  	_ =	shalt  }
0x42: {  	_ =	shalt  }
0x43: {  	_ =	shalt  }
0x44: {  	_ =	shalt  }
0x45: {  	_ =	shalt  }
0x46: {  	_ =	shalt  }
0x47: {  	_ =	shalt  }
0x48: {  	_ =	shalt  }
0x49: {  	_ =	shalt  }
0x4a: {  	_ =	shalt  }
0x4b: {  	_ =	shalt  }
0x4c: {  	_ =	shalt  }
0x4d: {  	_ =	shalt  }
0x4e: {  	_ =	shalt  }
0x4f: {  	_ =	shalt  }
0x50: {  	_ =	shalt  }
0x51: {  	_ =	shalt  }
0x52: {  	_ =	shalt  }
0x53: {  	_ =	shalt  }
0x54: {  	_ =	shalt  }
0x55: {  	_ =	shalt  }
0x56: {  	_ =	shalt  }
0x57: {  	_ =	shalt  }
0x58: {  	_ =	shalt  }
0x59: {  	_ =	shalt  }
0x5a: {  	_ =	shalt  }
0x5b: {  	_ =	shalt  }
0x5c: {  	_ =	shalt  }
0x5d: {  	_ =	shalt  }
0x5e: {  	_ =	shalt  }
0x5f: {  	_ =	shalt  }
0x60: {  	_ =	shalt  }
0x61: {  	_ =	shalt  }
0x62: {  	_ =	shalt  }
0x63: {  	_ =	shalt  }
0x64: {  	_ =	shalt  }
0x65: {  	_ =	shalt  }
0x66: {  	_ =	shalt  }
0x67: {  	_ =	shalt  }
0x68: {  	_ =	shalt  }
0x69: {  	_ =	shalt  }
0x6a: {  	_ =	shalt  }
0x6b: {  	_ =	shalt  }
0x6c: {  	_ =	shalt  }
0x6d: {  	_ =	shalt  }
0x6e: {  	_ =	shalt  }
0x6f: {  	_ =	shalt  }
0x70: {  	_ =	shalt  }
0x71: {  	_ =	shalt  }
0x72: {  	_ =	shalt  }
0x73: {  	_ =	shalt  }
0x74: {  	_ =	shalt  }
0x75: {  	_ =	shalt  }
0x76: {  	_ =	shalt  }
0x77: {  	_ =	shalt  }
0x78: {  	_ =	shalt  }
0x79: {  	_ =	shalt  }
0x7a: {  	_ =	shalt  }
0x7b: {  	_ =	shalt  }
0x7c: {  	_ =	shalt  }
0x7d: {  	_ =	shalt  }
0x7e: {  	_ =	shalt  }
0x7f: {  	_ =	shalt  }
0x80: {  	_ =	shalt  }
0x81: {  	_ =	shalt  }
0x82: {  	_ =	shalt  }
0x83: {  	_ =	shalt  }
0x84: {  	_ =	shalt  }
0x85: {  	_ =	shalt  }
0x86: {  	_ =	shalt  }
0x87: {  	_ =	shalt  }
.Lfunc_end0:
.L_simem_size_0:
called_computation_lowered:
.L_overlay_start_0:
0x88: {  	s2 =	sld [smem:$0x3FD9]  }
0x89: {  	s3 =	sld [smem:$0x3FFE];
	_ =	sdelay $0x1  }
0x8a: {  	s1 =	srdreg.scid  }
0x8b: {  	s0 =	sand.u32 $0x1, s1  }
0x8c: {  	s18 =	sshll.u32 s0, $0xA;
	s2 =	sadd.s32 s3, s2  }
0x8d: {  	s2 =	sadd.s32 s2, s18  }
0x8e: {  	[smem:$0x3FC7] =	sst s2  }
0x8f: {  	_ = 	snop  }
0x90: {  	s2 =	sld [smem:$0x3FC9]  }
0x91: {  	s19 =	sld [smem:$0x3FD0];
	(tm) =	ssettm $0x1  }
0x92: {  	s4 =	sld [smem:$0x3FFB];
	_ =	sdelay $0x3  }
0x93: {  	_ =	strace s4  }
0x94: {  	s4 =	sld [smem:$0x3FFC];
	_ =	sdelay $0x3  }
0x95: {  	_ =	strace s4  }
0x96: {  	s4 =	sld [smem:$0x3FFD];
	_ =	sdelay $0x3  }
0x97: {  	_ =	strace s4  }
0x98: {  	_ =	strace $0x8FFFFFFF  }
0x99: {  	s20 =	sld [smem:$0x3FDB];
	_ =	sdelay $0x1  }
0x9a: {  	s5 =	simm.s32 $_scs_section_size  }
0x9b: {  	s6 =	simm.s32 $_size__tile_overlayer_lowered;
	s7 =	simm.s32 $_tile_overlayer_lowered  }
0x9c: {  	s23 =	simm.s32 $0x1BFF;
	s22 =	sshll.u32 s7, $0x1;
	s4 =	sadd.s32 s5, s20  }
0x9d: {  	s8 =	simm.s32 $0x0;
	s21 =	sshll.u32 s6, $0x1;
	s6 =	sadd.s32 s22, s4  }
0x9e: {  	[timem:s8], [sflag:s23] =	dma.local [hbm:s6], s21  }
0x9f: {  	_ =	swait.ge [sflag:s23], s21  }
0xa0: {  	s5 =	ssub.s32 $0x0, s21;
	[sflag:s23] =	ssyncset.done $0x0  }
0xa1: {  	[sflag:s23] =	ssyncadd.s32 s5;
	_ =	sdelay $0x1  }
0xa2: {  	s24 =	simm.s32 $0x1B8B  }
0xa3: {  	_ =	swait.ge [sflag:s24], $0x1  }
0xa4: {  	[sflag:s24] =	ssyncset.done $0x0  }
0xa5: {  	s25 =	simm.s32 $0x1B8E;
	[sflag:s24] =	ssyncadd.s32 $0xFFFFFFFF  }
0xa6: {  	s26 =	simm.s32 $execute0_lowered;
	[smem:$0x3FD2] =	sst s25  }
0xa7: {  	s5 =	sshll.u32 s26, $0x1;
	_ =	strace $0x80000046;
	[dreg:$0x1] =	wrdreg $0xFFFFFFFF  }
0xa8: {  	s28 =	simm.s32 $_size_execute0_lowered;
	s4 =	sadd.s32 s4, s5;
	[dreg:$0x0] =	wrdreg $0x0  }
0xa9: {  	s5 =	sshll.u32 s28, $0x1;
	[dreg:$0x2] =	wrdreg s4  }
0xaa: {  	[dreg:$0x3] =	wrdreg s5  }
0xab: {  	[dreg:$0x4] =	wrdreg $0xC0  }
0xac: {  	_ =	task [dreg:s8], $0x5FFFF  }
0xad: {  	[dreg:$0x1] =	wrdreg $0xFFFFFFFF  }
0xae: {  	[dreg:$0x0] =	wrdreg $0x60  }
0xaf: {  	[dreg:$0x2] =	wrdreg s2  }
0xb0: {  	[dreg:$0x3] =	wrdreg s19  }
0xb1: {  	[dreg:$0x4] =	wrdreg $0x9  }
0xb2: {  	_ =	task.clear_ibuf [dreg:s8], $0x5FFFF;
	_ =	strace $0x90000046  }
0xb3: {  	s29 =	simm.s32 $0x9;
	_ =	strace $0x80000048  }
0xb4: {  	_ =	swait.ge [sflag:s29], $0x1  }
0xb5: {  	[sflag:s29] =	ssyncadd.s32 $0xFFFFFFFF  }
0xb6: {  	_ =	strace $0x90000048  }
0xb7: {  	_ =	sfence  }
0xb8: {  	s30 =	sld [smem:$0x0];
	_ =	sdelay $0x2  }
0xb9: {  	s31 =	sshll.u32 s1, $0xD;
	s1 =	sshrl.u32 s1, $0x2  }
0xba: {  	s3 =	sand.u32 $0x4000, s31;
	s1 =	sadd.s32 s1, s30  }
0xbb: {  	s0 =	sor.u32 s3, s0;
	s1 =	sshll.u32 s1, $0x11  }
0xbc: {  	s0 =	sor.u32 s1, s0  }
0xbd: {  	s0 =	sadd.s32 $0x8F2B, s0  }
0xbe: {  	[sflag:s0] =	ssyncadd.remote.s32 $0x1  }
0xbf: {  	_ =	sfence.sel $0xFFFF  }
0xc0: {  	[dreg:$0x0] =	wrdreg $0xFFFFFFFF;
	(pc) =	sbr.abs _section_cstart, $3  }
0xc1: {  	[dreg:$0x1] =	wrdreg $0xFFFFFFFF  }
0xc2: {  	_ =	task.clear_ibuf [dreg:s8], $0x2FFFF;
	_ =	strace $0x9FFFFFFF  }
0xc3: {  	(tm) =	ssettm $0x7FFFFFFF  }
tec
execute0_lowered:
.L_overlay_start_1:
0x0: {  	(tag) =	ssettag $0x1  }
0x1: {  	s1 =	srdreg.scid;
	s0 =	stileid.u32  }
0x2: {  	s31 =	sand.u32 $0x1, s1;
	s26 =	sshll.u32 s0, $0x1  }
0x3: {  	s1 =	sor.u32 s31, s26  }
0x4: {  	s3 =	smul.u32 $0x4E200, s1  }
0x5: {  	s28 =	rddreg [dreg:$0x0]  }
0x6: {  	s30 =	rddreg [dreg:$0x1];
	s2 =	simm.s32 $0x0;
	s29 =	sshrl.u32 s3, $0x3  }
0x7: {  	[smem:$0x7FF] =	sst s2;
	s3 =	sadd.s32 s28, s29  }
0x8: {  	_ =	strace $0x80000047;
	[dreg:$0x3] =	wrdreg s3  }
0x9: {  	s10 =	sadd.s32 $0xFA0, s29;
	s3 =	rddreg [dreg:$0x3]  }
0xa: {  	[tilespmem:s2], [sflag:$0x1] =	stream.linear.gather [hbm4b:s3+s2], $0x7D00, $0x38;
	[tilespmem:$0x17700] =	vst v63  }
0xb: {  	s4 =	simm.s32 $0x7D00;
	s5 =	simm.s32 $0x1;
	s3 =	sadd.s32 s28, s10  }
0xc: {  	[tilespmem:s4], [sflag:$0x2] =	stream.linear.gather [hbm4b:s3+s2], $0x7D00, $0x38;
	[tilespmem:$0x17700] =	vst v63  }
0xd: {  	_ =	swait.ge [sflag:s5], $0x7D00  }
0xe: {  	[sflag:s5] =	ssyncset.done $0x0  }
0xf: {  	s6 =	sadd.s32 s30, s29;
	s14 =	sadd.s32 $0x1F40, s29;
	[sflag:s5] =	ssyncadd.s32 $0xFFFF8300  }
0x10: {  	[hbm4b:s6+s2] =	stream.linear.scatter [tilespmem:s2], [sflag:$0x4], $0x7D00, $0x38;
	[tilespmem:$0x17700] =	vst v63  }
0x11: {  	s8 =	simm.s32 $0xFA00;
	s9 =	simm.s32 $0x2;
	s7 =	sadd.s32 s28, s14  }
0x12: {  	[tilespmem:s8], [sflag:$0x3] =	stream.linear.gather [hbm4b:s7+s2], $0x7D00, $0x38;
	[tilespmem:$0x17700] =	vst v63  }
0x13: {  	_ =	swait.ge [sflag:s9], $0x7D00  }
0x14: {  	[sflag:s9] =	ssyncset.done $0x0  }
0x15: {  	s11 =	sadd.s32 s30, s10;
	s10 =	simm.s32 $0x4;
	[sflag:s9] =	ssyncadd.s32 $0xFFFF8300  }
0x16: {  	[hbm4b:s11+s2] =	stream.linear.scatter [tilespmem:s4], [sflag:$0x5], $0x7D00, $0x38;
	[tilespmem:$0x17700] =	vst v63  }
0x17: {  	_ =	swait.ge [sflag:s10], $0x7D00  }
0x18: {  	s17 =	sadd.s32 $0x2EE0, s29;
	[sflag:s10] =	ssyncset.done $0x0  }
0x19: {  	s13 =	simm.s32 $0x3;
	s12 =	sadd.s32 s28, s17;
	[sflag:s10] =	ssyncadd.s32 $0xFFFF8300  }
0x1a: {  	[tilespmem:s2], [sflag:$0x1] =	stream.linear.gather [hbm4b:s12+s2], $0x7D00, $0x38;
	[tilespmem:$0x17700] =	vst v63  }
0x1b: {  	_ =	swait.ge [sflag:s13], $0x7D00  }
0x1c: {  	[sflag:s13] =	ssyncset.done $0x0  }
0x1d: {  	s15 =	simm.s32 $0x5;
	s14 =	sadd.s32 s30, s14;
	[sflag:s13] =	ssyncadd.s32 $0xFFFF8300  }
0x1e: {  	[hbm4b:s14+s2] =	stream.linear.scatter [tilespmem:s8], [sflag:$0x6], $0x7D00, $0x38;
	[tilespmem:$0x17700] =	vst v63  }
0x1f: {  	_ =	swait.ge [sflag:s15], $0x7D00  }
0x20: {  	s20 =	sadd.s32 $0x3E80, s29;
	[sflag:s15] =	ssyncset.done $0x0  }
0x21: {  	s16 =	sadd.s32 s28, s20;
	[sflag:s15] =	ssyncadd.s32 $0xFFFF8300  }
0x22: {  	[tilespmem:s4], [sflag:$0x2] =	stream.linear.gather [hbm4b:s16+s2], $0x7D00, $0x38;
	[tilespmem:$0x17700] =	vst v63  }
0x23: {  	_ =	swait.ge [sflag:s5], $0x7D00  }
0x24: {  	[sflag:s5] =	ssyncset.done $0x0  }
0x25: {  	s18 =	simm.s32 $0x6;
	s17 =	sadd.s32 s30, s17;
	[sflag:s5] =	ssyncadd.s32 $0xFFFF8300  }
0x26: {  	[hbm4b:s17+s2] =	stream.linear.scatter [tilespmem:s2], [sflag:$0x4], $0x7D00, $0x38;
	[tilespmem:$0x17700] =	vst v63  }
0x27: {  	_ =	swait.ge [sflag:s18], $0x7D00  }
0x28: {  	s22 =	sadd.s32 $0x4E20, s29;
	[sflag:s18] =	ssyncset.done $0x0  }
0x29: {  	s19 =	sadd.s32 s28, s22;
	[sflag:s18] =	ssyncadd.s32 $0xFFFF8300  }
0x2a: {  	[tilespmem:s8], [sflag:$0x3] =	stream.linear.gather [hbm4b:s19+s2], $0x7D00, $0x38;
	[tilespmem:$0x17700] =	vst v63  }
0x2b: {  	_ =	swait.ge [sflag:s9], $0x7D00  }
0x2c: {  	[sflag:s9] =	ssyncset.done $0x0  }
0x2d: {  	s20 =	sadd.s32 s30, s20;
	[sflag:s9] =	ssyncadd.s32 $0xFFFF8300  }
0x2e: {  	[hbm4b:s20+s2] =	stream.linear.scatter [tilespmem:s4], [sflag:$0x5], $0x7D00, $0x38;
	[tilespmem:$0x17700] =	vst v63  }
0x2f: {  	_ =	swait.ge [sflag:s10], $0x7D00  }
0x30: {  	s24 =	sadd.s32 $0x5DC0, s29;
	[sflag:s10] =	ssyncset.done $0x0  }
0x31: {  	s21 =	sadd.s32 s28, s24;
	[sflag:s10] =	ssyncadd.s32 $0xFFFF8300  }
0x32: {  	[tilespmem:s2], [sflag:$0x1] =	stream.linear.gather [hbm4b:s21+s2], $0x7D00, $0x38;
	[tilespmem:$0x17700] =	vst v63  }
0x33: {  	_ =	swait.ge [sflag:s13], $0x7D00  }
0x34: {  	[sflag:s13] =	ssyncset.done $0x0  }
0x35: {  	s22 =	sadd.s32 s30, s22;
	[sflag:s13] =	ssyncadd.s32 $0xFFFF8300  }
0x36: {  	[hbm4b:s22+s2] =	stream.linear.scatter [tilespmem:s8], [sflag:$0x6], $0x7D00, $0x38;
	[tilespmem:$0x17700] =	vst v63  }
0x37: {  	_ =	swait.ge [sflag:s15], $0x7D00  }
0x38: {  	s26 =	sadd.s32 $0x6D60, s29;
	[sflag:s15] =	ssyncset.done $0x0  }
0x39: {  	s23 =	sadd.s32 s28, s26;
	[sflag:s15] =	ssyncadd.s32 $0xFFFF8300  }
0x3a: {  	[tilespmem:s4], [sflag:$0x2] =	stream.linear.gather [hbm4b:s23+s2], $0x7D00, $0x38;
	[tilespmem:$0x17700] =	vst v63  }
0x3b: {  	_ =	swait.ge [sflag:s5], $0x7D00  }
0x3c: {  	[sflag:s5] =	ssyncset.done $0x0  }
0x3d: {  	s24 =	sadd.s32 s30, s24;
	[sflag:s5] =	ssyncadd.s32 $0xFFFF8300  }
0x3e: {  	[hbm4b:s24+s2] =	stream.linear.scatter [tilespmem:s2], [sflag:$0x4], $0x7D00, $0x38;
	[tilespmem:$0x17700] =	vst v63  }
0x3f: {  	_ =	swait.ge [sflag:s18], $0x7D00  }
0x40: {  	s1 =	sadd.s32 $0x7D00, s29;
	[sflag:s18] =	ssyncset.done $0x0  }
0x41: {  	s25 =	sadd.s32 s28, s1;
	[sflag:s18] =	ssyncadd.s32 $0xFFFF8300  }
0x42: {  	[tilespmem:s8], [sflag:$0x3] =	stream.linear.gather [hbm4b:s25+s2], $0x7D00, $0x38;
	[tilespmem:$0x17700] =	vst v63  }
0x43: {  	_ =	swait.ge [sflag:s9], $0x7D00  }
0x44: {  	[sflag:s9] =	ssyncset.done $0x0  }
0x45: {  	s26 =	sadd.s32 s30, s26;
	[sflag:s9] =	ssyncadd.s32 $0xFFFF8300  }
0x46: {  	[hbm4b:s26+s2] =	stream.linear.scatter [tilespmem:s4], [sflag:$0x5], $0x7D00, $0x38;
	[tilespmem:$0x17700] =	vst v63  }
0x47: {  	_ =	swait.ge [sflag:s10], $0x7D00  }
0x48: {  	s0 =	sadd.s32 $0x8CA0, s29;
	[sflag:s10] =	ssyncset.done $0x0  }
0x49: {  	s28 =	sadd.s32 s28, s0;
	[sflag:s10] =	ssyncadd.s32 $0xFFFF8300  }
0x4a: {  	[tilespmem:s2], [sflag:$0x1] =	stream.linear.gather [hbm4b:s28+s2], $0x7D00, $0x38;
	[tilespmem:$0x17700] =	vst v63  }
0x4b: {  	_ =	swait.ge [sflag:s13], $0x7D00  }
0x4c: {  	[sflag:s13] =	ssyncset.done $0x0  }
0x4d: {  	s29 =	sadd.s32 s30, s1;
	[sflag:s13] =	ssyncadd.s32 $0xFFFF8300  }
0x4e: {  	[hbm4b:s29+s2] =	stream.linear.scatter [tilespmem:s8], [sflag:$0x6], $0x7D00, $0x38;
	[tilespmem:$0x17700] =	vst v63  }
0x4f: {  	s30 =	sadd.s32 s30, s0;
	s0 =	ssub.s32 $0x2, s31;
	_ =	swait.ge [sflag:s5], $0x7D00  }
0x50: {  	s1 =	sshrl.u32 s0, $0x1;
	[sflag:s5] =	ssyncset.done $0x0  }
0x51: {  	s0 =	ssub.s32 s0, s1;
	[sflag:s5] =	ssyncadd.s32 $0xFFFF8300  }
0x52: {  	[hbm4b:s30+s2] =	stream.linear.scatter [tilespmem:s2], [sflag:$0x4], $0x7D00, $0x38;
	[tilespmem:$0x17700] =	vst v63  }
0x53: {  	s0 =	smax.u32 s0, $0x1;
	_ =	swait.ge [sflag:s15], $0x7D00  }
0x54: {  	p0 =	sne.s32 s0, $0x1;
	[sflag:s15] =	ssyncset.done $0x0  }
.Ltmp0:
0x55: {  	[sflag:s15] =	ssyncadd.s32 $0xFFFF8300;
	(pc) =	sbr.rel @!p0 .LBB2_2-.Ltmp0, $4  }
0x56: {  	_ =	swait.ge [sflag:s18], $0x7D00  }
0x57: {  	[sflag:s18] =	ssyncset.done $0x0  }
0x58: {  	[sflag:s18] =	ssyncadd.s32 $0xFFFF8300  }
0x59: {  	s31 =	sadd.s32 $0xFFFFFFFF, s0;
	_ =	swait.ge [sflag:s10], $0x7D00  }
.LBB2_1:
0x5a: {  	[sflag:s10] =	ssyncset.done $0x0  }
0x5b: {  	s0 =	rddreg [dreg:$0x3];
	[sflag:s10] =	ssyncadd.s32 $0xFFFF8300  }
0x5c: {  	[tilespmem:s2], [sflag:$0x1] =	stream.linear.gather [hbm4b:s0+s2], $0x7D00, $0x38;
	[tilespmem:$0x17700] =	vst v63  }
0x5d: {  	_ = 	snop  }
0x5e: {  	[tilespmem:s4], [sflag:$0x2] =	stream.linear.gather [hbm4b:s3+s2], $0x7D00, $0x38;
	[tilespmem:$0x17700] =	vst v63  }
0x5f: {  	_ =	swait.ge [sflag:s5], $0x7D00  }
0x60: {  	[sflag:s5] =	ssyncset.done $0x0  }
0x61: {  	[sflag:s5] =	ssyncadd.s32 $0xFFFF8300  }
0x62: {  	[hbm4b:s6+s2] =	stream.linear.scatter [tilespmem:s2], [sflag:$0x4], $0x7D00, $0x38;
	[tilespmem:$0x17700] =	vst v63  }
0x63: {  	_ = 	snop  }
0x64: {  	[tilespmem:s8], [sflag:$0x3] =	stream.linear.gather [hbm4b:s7+s2], $0x7D00, $0x38;
	[tilespmem:$0x17700] =	vst v63  }
0x65: {  	_ =	swait.ge [sflag:s9], $0x7D00  }
0x66: {  	[sflag:s9] =	ssyncset.done $0x0  }
0x67: {  	[sflag:s9] =	ssyncadd.s32 $0xFFFF8300  }
0x68: {  	[hbm4b:s11+s2] =	stream.linear.scatter [tilespmem:s4], [sflag:$0x5], $0x7D00, $0x38;
	[tilespmem:$0x17700] =	vst v63  }
0x69: {  	_ =	swait.ge [sflag:s10], $0x7D00  }
0x6a: {  	[sflag:s10] =	ssyncset.done $0x0  }
0x6b: {  	[sflag:s10] =	ssyncadd.s32 $0xFFFF8300  }
0x6c: {  	[tilespmem:s2], [sflag:$0x1] =	stream.linear.gather [hbm4b:s12+s2], $0x7D00, $0x38;
	[tilespmem:$0x17700] =	vst v63  }
0x6d: {  	_ =	swait.ge [sflag:s13], $0x7D00  }
0x6e: {  	[sflag:s13] =	ssyncset.done $0x0  }
0x6f: {  	[sflag:s13] =	ssyncadd.s32 $0xFFFF8300  }
0x70: {  	[hbm4b:s14+s2] =	stream.linear.scatter [tilespmem:s8], [sflag:$0x6], $0x7D00, $0x38;
	[tilespmem:$0x17700] =	vst v63  }
0x71: {  	_ =	swait.ge [sflag:s15], $0x7D00  }
0x72: {  	[sflag:s15] =	ssyncset.done $0x0  }
0x73: {  	[sflag:s15] =	ssyncadd.s32 $0xFFFF8300  }
0x74: {  	[tilespmem:s4], [sflag:$0x2] =	stream.linear.gather [hbm4b:s16+s2], $0x7D00, $0x38;
	[tilespmem:$0x17700] =	vst v63  }
0x75: {  	_ =	swait.ge [sflag:s5], $0x7D00  }
0x76: {  	[sflag:s5] =	ssyncset.done $0x0  }
0x77: {  	[sflag:s5] =	ssyncadd.s32 $0xFFFF8300  }
0x78: {  	[hbm4b:s17+s2] =	stream.linear.scatter [tilespmem:s2], [sflag:$0x4], $0x7D00, $0x38;
	[tilespmem:$0x17700] =	vst v63  }
0x79: {  	_ =	swait.ge [sflag:s18], $0x7D00  }
0x7a: {  	[sflag:s18] =	ssyncset.done $0x0  }
0x7b: {  	[sflag:s18] =	ssyncadd.s32 $0xFFFF8300  }
0x7c: {  	[tilespmem:s8], [sflag:$0x3] =	stream.linear.gather [hbm4b:s19+s2], $0x7D00, $0x38;
	[tilespmem:$0x17700] =	vst v63  }
0x7d: {  	_ =	swait.ge [sflag:s9], $0x7D00  }
0x7e: {  	[sflag:s9] =	ssyncset.done $0x0  }
0x7f: {  	[sflag:s9] =	ssyncadd.s32 $0xFFFF8300  }
0x80: {  	[hbm4b:s20+s2] =	stream.linear.scatter [tilespmem:s4], [sflag:$0x5], $0x7D00, $0x38;
	[tilespmem:$0x17700] =	vst v63  }
0x81: {  	_ =	swait.ge [sflag:s10], $0x7D00  }
0x82: {  	[sflag:s10] =	ssyncset.done $0x0  }
0x83: {  	[sflag:s10] =	ssyncadd.s32 $0xFFFF8300  }
0x84: {  	[tilespmem:s2], [sflag:$0x1] =	stream.linear.gather [hbm4b:s21+s2], $0x7D00, $0x38;
	[tilespmem:$0x17700] =	vst v63  }
0x85: {  	_ =	swait.ge [sflag:s13], $0x7D00  }
0x86: {  	[sflag:s13] =	ssyncset.done $0x0  }
0x87: {  	[sflag:s13] =	ssyncadd.s32 $0xFFFF8300  }
0x88: {  	[hbm4b:s22+s2] =	stream.linear.scatter [tilespmem:s8], [sflag:$0x6], $0x7D00, $0x38;
	[tilespmem:$0x17700] =	vst v63  }
0x89: {  	_ =	swait.ge [sflag:s15], $0x7D00  }
0x8a: {  	[sflag:s15] =	ssyncset.done $0x0  }
0x8b: {  	[sflag:s15] =	ssyncadd.s32 $0xFFFF8300  }
0x8c: {  	[tilespmem:s4], [sflag:$0x2] =	stream.linear.gather [hbm4b:s23+s2], $0x7D00, $0x38;
	[tilespmem:$0x17700] =	vst v63  }
0x8d: {  	_ =	swait.ge [sflag:s5], $0x7D00  }
0x8e: {  	[sflag:s5] =	ssyncset.done $0x0  }
0x8f: {  	[sflag:s5] =	ssyncadd.s32 $0xFFFF8300  }
0x90: {  	[hbm4b:s24+s2] =	stream.linear.scatter [tilespmem:s2], [sflag:$0x4], $0x7D00, $0x38;
	[tilespmem:$0x17700] =	vst v63  }
0x91: {  	_ =	swait.ge [sflag:s18], $0x7D00  }
0x92: {  	[sflag:s18] =	ssyncset.done $0x0  }
0x93: {  	[sflag:s18] =	ssyncadd.s32 $0xFFFF8300  }
0x94: {  	[tilespmem:s8], [sflag:$0x3] =	stream.linear.gather [hbm4b:s25+s2], $0x7D00, $0x38;
	[tilespmem:$0x17700] =	vst v63  }
0x95: {  	_ =	swait.ge [sflag:s9], $0x7D00  }
0x96: {  	[sflag:s9] =	ssyncset.done $0x0  }
0x97: {  	[sflag:s9] =	ssyncadd.s32 $0xFFFF8300  }
0x98: {  	[hbm4b:s26+s2] =	stream.linear.scatter [tilespmem:s4], [sflag:$0x5], $0x7D00, $0x38;
	[tilespmem:$0x17700] =	vst v63  }
0x99: {  	_ =	swait.ge [sflag:s10], $0x7D00  }
0x9a: {  	[sflag:s10] =	ssyncset.done $0x0  }
0x9b: {  	[sflag:s10] =	ssyncadd.s32 $0xFFFF8300  }
0x9c: {  	[tilespmem:s2], [sflag:$0x1] =	stream.linear.gather [hbm4b:s28+s2], $0x7D00, $0x38;
	[tilespmem:$0x17700] =	vst v63  }
0x9d: {  	_ =	swait.ge [sflag:s13], $0x7D00  }
0x9e: {  	[sflag:s13] =	ssyncset.done $0x0  }
0x9f: {  	[sflag:s13] =	ssyncadd.s32 $0xFFFF8300  }
0xa0: {  	[hbm4b:s29+s2] =	stream.linear.scatter [tilespmem:s8], [sflag:$0x6], $0x7D00, $0x38;
	[tilespmem:$0x17700] =	vst v63  }
0xa1: {  	_ =	swait.ge [sflag:s5], $0x7D00  }
0xa2: {  	[sflag:s5] =	ssyncset.done $0x0  }
0xa3: {  	[sflag:s5] =	ssyncadd.s32 $0xFFFF8300  }
0xa4: {  	[hbm4b:s30+s2] =	stream.linear.scatter [tilespmem:s2], [sflag:$0x4], $0x7D00, $0x38;
	[tilespmem:$0x17700] =	vst v63  }
0xa5: {  	_ =	swait.ge [sflag:s15], $0x7D00  }
0xa6: {  	p0 =	sne.s32 s31, $0x1;
	[sflag:s15] =	ssyncset.done $0x0  }
.Ltmp1:
0xa7: {  	[sflag:s15] =	ssyncadd.s32 $0xFFFF8300;
	(pc) =	sbr.rel @p0 .LBB2_1-.Ltmp1, $4  }
0xa8: {  	_ =	swait.ge [sflag:s18], $0x7D00  }
0xa9: {  	[sflag:s18] =	ssyncset.done $0x0  }
0xaa: {  	[sflag:s18] =	ssyncadd.s32 $0xFFFF8300  }
0xab: {  	s31 =	sadd.s32 $0xFFFFFFFF, s31;
	_ =	swait.ge [sflag:s10], $0x7D00  }
.LBB2_2:
0xac: {  	[sflag:s10] =	ssyncset.done $0x0  }
0xad: {  	[sflag:s10] =	ssyncadd.s32 $0xFFFF8300  }
0xae: {  	_ =	sfence.sel $0x180000  }
0xaf: {  	[bflag:$0x0] =	sbarrier.arrive $0xFFFF  }
0xb0: {  	_ =	strace $0x90000047  }
0xb1: {  	s0 =	stileid.u32;
	[bflag:$0x2] =	sbarrier.arrive $0xFFFF  }
0xb2: {  	p0 =	sne.s32 s0, $0x0;
	s0 =	rddreg [dreg:$0x2]  }
0xb3: {  	s0 =	sadd.s32 @!p0 $0x100000, s0  }
0xb4: {  	[sflag:s0] =	ssyncadd.tile.s32 @!p0 $0x1;
	_ =	shalt  }
.Lfunc_end2:
_tile_overlayer_lowered:
.L_overlay_start_2:
0xb5: {  	(tag) =	ssettag $0x2  }
0xb6: {  	s0 =	rddreg [dreg:$0x0];
	s2 =	stileid.u32  }
0xb7: {  	s1 =	rddreg [dreg:$0x1];
	p0 =	sne.s32 s2, $0x0  }
0xb8: {  	s3 =	rddreg [dreg:$0x2];
	[bflag:$0x3] =	sbarrier.arrive $0xFFFF;
	s2 =	simm.s32 @!p0 $0x1C07  }
0xb9: {  	[timem:s3], [sflag:s2] =	dma.local @!p0 [hbm:s0], s1  }
0xba: {  	s0 =	simm.s32 @!p0 $0x7  }
0xbb: {  	_ =	swait.ge @!p0 [sflag:s0], s1  }
0xbc: {  	s1 =	ssub.s32 @!p0 $0x0, s1;
	[sflag:s0] =	ssyncset.done @!p0 $0x0  }
0xbd: {  	[sflag:s0] =	ssyncadd.s32 @!p0 s1  }
0xbe: {  	[bflag:$0x3] =	sbarrier.arrive $0xFFFF  }
0xbf: {  	_ =	shalt  }

</sc_bundles>
